<compile_context>
chip_gen: v7x
topology: tpu7x:2x2x1
jax: 0.10.2.dev20260603
libtpu: 0.0.44.dev20260713+nightly
codegen_flags: <defaults>
</compile_context>

<pallas_src>
import functools

import jax
import jax.numpy as jnp
from jax import lax
from jax.experimental import pallas as pl
from jax.experimental.pallas import tpu as pltpu
from jax.experimental.pallas import tpu_sc as plsc

_EMB = 64
_BATCH = 4096
_HIST = 50
_L = 16
_NLG = _EMB // _L
_CPG = 4
_GROWS = _CPG * _HIST
_NBUF = 4


@functools.lru_cache(maxsize=None)
def _make_sc_kernel(NC, NS):
    NW = NC * NS
    BPW = _BATCH // NW
    NSUB = BPW // _CPG

    mesh = plsc.VectorSubcoreMesh(core_axis_name="c", subcore_axis_name="s")

    @functools.partial(
        pl.kernel,
        mesh=mesh,
        out_type=(
            jax.ShapeDtypeStruct((_BATCH, _EMB), jnp.float32),
            jax.ShapeDtypeStruct((_BATCH, _EMB), jnp.float32),
        ),
        compiler_params=pltpu.CompilerParams(use_tc_tiling_on_sc=False),
        scratch_types=[
            pltpu.VMEM((BPW,), jnp.int32),
            pltpu.VMEM((BPW, _EMB), jnp.float32),
            pltpu.VMEM((NSUB, _GROWS), jnp.int32),
            pltpu.VMEM((BPW, _EMB), jnp.float32),
            pltpu.SemaphoreType.DMA,
        ]
        + [pltpu.VMEM((_GROWS, _EMB), jnp.float32) for _ in range(_NBUF)]
        + [pltpu.SemaphoreType.DMA for _ in range(_NBUF)],
    )
    def k(tgt_hbm, ctx_hbm, emb_hbm, tgt_out, ctx_out,
          tidx_v, trows_v, cidx_v, ostage, tsem, *ring):
        bufs = ring[:_NBUF]
        sems = ring[_NBUF:]
        cid = lax.axis_index("c")
        sid = lax.axis_index("s")
        wid = sid * NC + cid
        base = wid * BPW

        pltpu.sync_copy(tgt_hbm.at[wid], tidx_v)
        tgather = pltpu.make_async_copy(emb_hbm.at[tidx_v], trows_v, tsem)
        tgather.start()

        pltpu.sync_copy(ctx_hbm.at[wid], cidx_v)

        def gather_chunk(si, ph):
            pltpu.make_async_copy(
                emb_hbm.at[cidx_v.at[si]], bufs[ph], sems[ph]).start()

        def wait_chunk(ph):
            pltpu.make_async_copy(
                emb_hbm.at[cidx_v.at[0]], bufs[ph], sems[ph]).wait()

        for ph in range(_NBUF):
            gather_chunk(ph, ph)

        def reduce_chunk(si, ph):
            buf = bufs[ph]
            for b in range(_CPG):
                def jbody(j, accs, b=b):
                    row = b * _HIST + j
                    return tuple(
                        accs[g] + buf[row, pl.ds(g * _L, _L)]
                        for g in range(_NLG))
                accs = lax.fori_loop(
                    0, _HIST, jbody,
                    tuple(jnp.zeros((_L,), jnp.float32) for _ in range(_NLG)))
                orow = si * _CPG + b
                for g in range(_NLG):
                    ostage[orow, pl.ds(g * _L, _L)] = accs[g]

        def sbody(si2, carry):
            for ph in range(_NBUF):
                si = si2 * _NBUF + ph
                wait_chunk(ph)
                reduce_chunk(si, ph)

                @pl.when(si + _NBUF < NSUB)
                def _():
                    gather_chunk(si + _NBUF, ph)
            return carry

        lax.fori_loop(0, NSUB // _NBUF, sbody, 0)

        tgather.wait()
        pltpu.sync_copy(trows_v, tgt_out.at[pl.ds(base, BPW)])
        pltpu.sync_copy(ostage, ctx_out.at[pl.ds(base, BPW)])

    return k


def kernel(target, context, emb):
    info = plsc.get_sparse_core_info()
    NC, NS = info.num_cores, info.num_subcores
    NW = NC * NS
    k = _make_sc_kernel(NC, NS)
    bpw = _BATCH // NW
    tgt_r = target.astype(jnp.int32).reshape(NW, bpw)
    ctx_r = context.astype(jnp.int32).reshape(NW, bpw // _CPG, _GROWS)
    return k(tgt_r, ctx_r, emb)

# --- scband reference (transcript-rebuilt; emitter-appended) ---
"""Pipeline reference for scband-word2-vec-12610023981120 (READ-ONLY COPY).

The authoritative reference and input builder live on the scoring server;
editing this copy changes nothing except your own understanding.
"""

import jax, jax.numpy as jnp
import numpy as np

VOCAB = 1000000
EMB = 64
BATCH = 4096
HIST = 50

def setup_inputs(seed: int = 0) -> dict:
    key = jax.random.key(seed)
    k1, k2, k3 = jax.random.split(key, 3)
    target = jax.random.randint(k1, (BATCH,), 0, VOCAB)
    context = jax.random.randint(k2, (BATCH, HIST), 0, VOCAB)
    emb = jax.random.normal(k3, (VOCAB, EMB), dtype=jnp.float32) * 0.02
    return {"target": target, "context": context, "emb": emb}

def reference(target, context, emb):
    # target_emb = self._emb(target)
    target_emb = jnp.take(emb, target, axis=0)
    # context_emb = self._emb(context).sum(dim=1)
    context_emb = jnp.take(emb, context, axis=0).sum(axis=1)
    return (target_emb, context_emb)

if __name__ == "__main__":
    import jax
    _d = setup_inputs()
    print(jax.jit(kernel)(*tuple(_d.values())))

</pallas_src>

<mosaic_0001>
#map = affine_map<(d0, d1) -> (0, 0)>
#map1 = affine_map<(d0, d1) -> (0, 0, 0)>
module attributes {stable_mosaic.version = 14 : i64} {
  func.func @k(%arg0: i32, %arg1: i32, %arg2: memref<32x128xi32, #tpu.memory_space<hbm>>, %arg3: memref<32x32x200xi32, #tpu.memory_space<hbm>>, %arg4: memref<1000000x64xf32, #tpu.memory_space<hbm>>, %arg5: memref<4096x64xf32, #tpu.memory_space<hbm>>, %arg6: memref<4096x64xf32, #tpu.memory_space<hbm>>, %arg7: memref<128xi32, #tpu.memory_space<vmem>>, %arg8: memref<128x64xf32, #tpu.memory_space<vmem>>, %arg9: memref<32x200xi32, #tpu.memory_space<vmem>>, %arg10: memref<128x64xf32, #tpu.memory_space<vmem>>, %arg11: memref<!tpu.dma_semaphore, #tpu.memory_space<semaphore_mem>>, %arg12: memref<200x64xf32, #tpu.memory_space<vmem>>, %arg13: memref<200x64xf32, #tpu.memory_space<vmem>>, %arg14: memref<200x64xf32, #tpu.memory_space<vmem>>, %arg15: memref<200x64xf32, #tpu.memory_space<vmem>>, %arg16: memref<!tpu.dma_semaphore, #tpu.memory_space<semaphore_mem>>, %arg17: memref<!tpu.dma_semaphore, #tpu.memory_space<semaphore_mem>>, %arg18: memref<!tpu.dma_semaphore, #tpu.memory_space<semaphore_mem>>, %arg19: memref<!tpu.dma_semaphore, #tpu.memory_space<semaphore_mem>>) attributes {dimension_semantics = [#tpu.dimension_semantics<core_parallel>, #tpu.dimension_semantics<subcore_parallel>], iteration_bounds = array<i64: 2, 16>, scalar_prefetch = 0 : i64, scratch_operands = 13 : i64, tpu.core_type = #tpu.core_type<sc_vector_subcore>, window_params = [{transform_indices = #map}, {transform_indices = #map1}, {transform_indices = #map}, {transform_indices = #map}, {transform_indices = #map}]} {
    %mul3A = arith.constant 2 : i32
    %mul3A_0 = arith.muli %arg1, %mul3A : i32
    %add3A = arith.addi %mul3A_0, %arg0 : i32
    %mul3A_1 = arith.constant 128 : i32
    %mul3A_2 = arith.muli %add3A, %mul3A_1 : i32
    "tpu.region"() ({
      %run_scoped3A = tpu.sem_alloc : memref<!tpu.dma_semaphore, #tpu.memory_space<semaphore_mem>>
      %dma_start3A_40 = arith.constant 0 : i32
      %dma_start3A_41 = tpu.memref_slice %arg2[%add3A, %dma_start3A_40] : memref<32x128xi32, #tpu.memory_space<hbm>> -> memref<1x128xi32, #tpu.memory_space<hbm>>
      %dma_start3A_42 = tpu.memref_squeeze %dma_start3A_41 : memref<1x128xi32, #tpu.memory_space<hbm>> -> memref<128xi32, #tpu.memory_space<hbm>>
      %dma_start3A_43 = arith.constant 0 : i32
      %dma_start3A_44 = tpu.memref_slice %arg2[%add3A, %dma_start3A_43] : memref<32x128xi32, #tpu.memory_space<hbm>> -> memref<1x128xi32, #tpu.memory_space<hbm>>
      %dma_start3A_45 = tpu.memref_squeeze %dma_start3A_44 : memref<1x128xi32, #tpu.memory_space<hbm>> -> memref<128xi32, #tpu.memory_space<hbm>>
      tpu.enqueue_dma source(%dma_start3A_45 : memref<128xi32, #tpu.memory_space<hbm>>) target(%arg7 : memref<128xi32, #tpu.memory_space<vmem>>) target_semaphore(%run_scoped3A : memref<!tpu.dma_semaphore, #tpu.memory_space<semaphore_mem>>)
      %dma_wait3A_46 = arith.constant 0 : i32
      %dma_wait3A_47 = tpu.memref_slice %arg2[%add3A, %dma_wait3A_46] : memref<32x128xi32, #tpu.memory_space<hbm>> -> memref<1x128xi32, #tpu.memory_space<hbm>>
      %dma_wait3A_48 = tpu.memref_squeeze %dma_wait3A_47 : memref<1x128xi32, #tpu.memory_space<hbm>> -> memref<128xi32, #tpu.memory_space<hbm>>
      %dma_wait3A_49 = arith.constant 0 : i32
      %dma_wait3A_50 = tpu.memref_slice %arg2[%add3A, %dma_wait3A_49] : memref<32x128xi32, #tpu.memory_space<hbm>> -> memref<1x128xi32, #tpu.memory_space<hbm>>
      %dma_wait3A_51 = tpu.memref_squeeze %dma_wait3A_50 : memref<1x128xi32, #tpu.memory_space<hbm>> -> memref<128xi32, #tpu.memory_space<hbm>>
      tpu.wait_dma2 semaphore(%run_scoped3A : memref<!tpu.dma_semaphore, #tpu.memory_space<semaphore_mem>>) src(%dma_wait3A_51 : memref<128xi32, #tpu.memory_space<hbm>>) dst(%arg7 : memref<128xi32, #tpu.memory_space<vmem>>)
      tpu.yield
    }) : () -> ()
    %dma_start3A = arith.constant 0 : i32
    %dma_start3A_3 = arith.constant 0 : i32
    %dma_start3A_4 = tpu.memref_slice %arg4[%dma_start3A, %dma_start3A_3] : memref<1000000x64xf32, #tpu.memory_space<hbm>> -> memref<1000000x64xf32, #tpu.memory_space<hbm>>
    tpu.enqueue_indirect_dma source(%dma_start3A_4 : memref<1000000x64xf32, #tpu.memory_space<hbm>>) target(%arg8 : memref<128x64xf32, #tpu.memory_space<vmem>>) offsets(%arg7 : memref<128xi32, #tpu.memory_space<vmem>>) semaphore(%arg11 : memref<!tpu.dma_semaphore, #tpu.memory_space<semaphore_mem>>)
    "tpu.region"() ({
      %run_scoped3A = tpu.sem_alloc : memref<!tpu.dma_semaphore, #tpu.memory_space<semaphore_mem>>
      %dma_start3A_40 = arith.constant 0 : i32
      %dma_start3A_41 = arith.constant 0 : i32
      %dma_start3A_42 = tpu.memref_slice %arg3[%add3A, %dma_start3A_40, %dma_start3A_41] : memref<32x32x200xi32, #tpu.memory_space<hbm>> -> memref<1x32x200xi32, #tpu.memory_space<hbm>>
      %dma_start3A_43 = tpu.memref_squeeze %dma_start3A_42 : memref<1x32x200xi32, #tpu.memory_space<hbm>> -> memref<32x200xi32, #tpu.memory_space<hbm>>
      %dma_start3A_44 = arith.constant 0 : i32
      %dma_start3A_45 = arith.constant 0 : i32
      %dma_start3A_46 = tpu.memref_slice %arg3[%add3A, %dma_start3A_44, %dma_start3A_45] : memref<32x32x200xi32, #tpu.memory_space<hbm>> -> memref<1x32x200xi32, #tpu.memory_space<hbm>>
      %dma_start3A_47 = tpu.memref_squeeze %dma_start3A_46 : memref<1x32x200xi32, #tpu.memory_space<hbm>> -> memref<32x200xi32, #tpu.memory_space<hbm>>
      tpu.enqueue_dma source(%dma_start3A_47 : memref<32x200xi32, #tpu.memory_space<hbm>>) target(%arg9 : memref<32x200xi32, #tpu.memory_space<vmem>>) target_semaphore(%run_scoped3A : memref<!tpu.dma_semaphore, #tpu.memory_space<semaphore_mem>>)
      %dma_wait3A_48 = arith.constant 0 : i32
      %dma_wait3A_49 = arith.constant 0 : i32
      %dma_wait3A_50 = tpu.memref_slice %arg3[%add3A, %dma_wait3A_48, %dma_wait3A_49] : memref<32x32x200xi32, #tpu.memory_space<hbm>> -> memref<1x32x200xi32, #tpu.memory_space<hbm>>
      %dma_wait3A_51 = tpu.memref_squeeze %dma_wait3A_50 : memref<1x32x200xi32, #tpu.memory_space<hbm>> -> memref<32x200xi32, #tpu.memory_space<hbm>>
      %dma_wait3A_52 = arith.constant 0 : i32
      %dma_wait3A_53 = arith.constant 0 : i32
      %dma_wait3A_54 = tpu.memref_slice %arg3[%add3A, %dma_wait3A_52, %dma_wait3A_53] : memref<32x32x200xi32, #tpu.memory_space<hbm>> -> memref<1x32x200xi32, #tpu.memory_space<hbm>>
      %dma_wait3A_55 = tpu.memref_squeeze %dma_wait3A_54 : memref<1x32x200xi32, #tpu.memory_space<hbm>> -> memref<32x200xi32, #tpu.memory_space<hbm>>
      tpu.wait_dma2 semaphore(%run_scoped3A : memref<!tpu.dma_semaphore, #tpu.memory_space<semaphore_mem>>) src(%dma_wait3A_55 : memref<32x200xi32, #tpu.memory_space<hbm>>) dst(%arg9 : memref<32x200xi32, #tpu.memory_space<vmem>>)
      tpu.yield
    }) : () -> ()
    %dma_start3A_5 = arith.constant 0 : i32
    %dma_start3A_6 = arith.constant 0 : i32
    %dma_start3A_7 = tpu.memref_slice %arg9[%dma_start3A_5, %dma_start3A_6] : memref<32x200xi32, #tpu.memory_space<vmem>> -> memref<1x200xi32, #tpu.memory_space<vmem>>
    %dma_start3A_8 = tpu.memref_squeeze %dma_start3A_7 : memref<1x200xi32, #tpu.memory_space<vmem>> -> memref<200xi32, #tpu.memory_space<vmem>>
    %dma_start3A_9 = arith.constant 0 : i32
    %dma_start3A_10 = arith.constant 0 : i32
    %dma_start3A_11 = tpu.memref_slice %arg4[%dma_start3A_9, %dma_start3A_10] : memref<1000000x64xf32, #tpu.memory_space<hbm>> -> memref<1000000x64xf32, #tpu.memory_space<hbm>>
    tpu.enqueue_indirect_dma source(%dma_start3A_11 : memref<1000000x64xf32, #tpu.memory_space<hbm>>) target(%arg12 : memref<200x64xf32, #tpu.memory_space<vmem>>) offsets(%dma_start3A_8 : memref<200xi32, #tpu.memory_space<vmem>>) semaphore(%arg16 : memref<!tpu.dma_semaphore, #tpu.memory_space<semaphore_mem>>)
    %dma_start3A_12 = arith.constant 1 : i32
    %dma_start3A_13 = arith.constant 0 : i32
    %dma_start3A_14 = tpu.memref_slice %arg9[%dma_start3A_12, %dma_start3A_13] : memref<32x200xi32, #tpu.memory_space<vmem>> -> memref<1x200xi32, #tpu.memory_space<vmem>>
    %dma_start3A_15 = tpu.memref_squeeze %dma_start3A_14 : memref<1x200xi32, #tpu.memory_space<vmem>> -> memref<200xi32, #tpu.memory_space<vmem>>
    %dma_start3A_16 = arith.constant 0 : i32
    %dma_start3A_17 = arith.constant 0 : i32
    %dma_start3A_18 = tpu.memref_slice %arg4[%dma_start3A_16, %dma_start3A_17] : memref<1000000x64xf32, #tpu.memory_space<hbm>> -> memref<1000000x64xf32, #tpu.memory_space<hbm>>
    tpu.enqueue_indirect_dma source(%dma_start3A_18 : memref<1000000x64xf32, #tpu.memory_space<hbm>>) target(%arg13 : memref<200x64xf32, #tpu.memory_space<vmem>>) offsets(%dma_start3A_15 : memref<200xi32, #tpu.memory_space<vmem>>) semaphore(%arg17 : memref<!tpu.dma_semaphore, #tpu.memory_space<semaphore_mem>>)
    %dma_start3A_19 = arith.constant 2 : i32
    %dma_start3A_20 = arith.constant 0 : i32
    %dma_start3A_21 = tpu.memref_slice %arg9[%dma_start3A_19, %dma_start3A_20] : memref<32x200xi32, #tpu.memory_space<vmem>> -> memref<1x200xi32, #tpu.memory_space<vmem>>
    %dma_start3A_22 = tpu.memref_squeeze %dma_start3A_21 : memref<1x200xi32, #tpu.memory_space<vmem>> -> memref<200xi32, #tpu.memory_space<vmem>>
    %dma_start3A_23 = arith.constant 0 : i32
    %dma_start3A_24 = arith.constant 0 : i32
    %dma_start3A_25 = tpu.memref_slice %arg4[%dma_start3A_23, %dma_start3A_24] : memref<1000000x64xf32, #tpu.memory_space<hbm>> -> memref<1000000x64xf32, #tpu.memory_space<hbm>>
    tpu.enqueue_indirect_dma source(%dma_start3A_25 : memref<1000000x64xf32, #tpu.memory_space<hbm>>) target(%arg14 : memref<200x64xf32, #tpu.memory_space<vmem>>) offsets(%dma_start3A_22 : memref<200xi32, #tpu.memory_space<vmem>>) semaphore(%arg18 : memref<!tpu.dma_semaphore, #tpu.memory_space<semaphore_mem>>)
    %dma_start3A_26 = arith.constant 3 : i32
    %dma_start3A_27 = arith.constant 0 : i32
    %dma_start3A_28 = tpu.memref_slice %arg9[%dma_start3A_26, %dma_start3A_27] : memref<32x200xi32, #tpu.memory_space<vmem>> -> memref<1x200xi32, #tpu.memory_space<vmem>>
    %dma_start3A_29 = tpu.memref_squeeze %dma_start3A_28 : memref<1x200xi32, #tpu.memory_space<vmem>> -> memref<200xi32, #tpu.memory_space<vmem>>
    %dma_start3A_30 = arith.constant 0 : i32
    %dma_start3A_31 = arith.constant 0 : i32
    %dma_start3A_32 = tpu.memref_slice %arg4[%dma_start3A_30, %dma_start3A_31] : memref<1000000x64xf32, #tpu.memory_space<hbm>> -> memref<1000000x64xf32, #tpu.memory_space<hbm>>
    tpu.enqueue_indirect_dma source(%dma_start3A_32 : memref<1000000x64xf32, #tpu.memory_space<hbm>>) target(%arg15 : memref<200x64xf32, #tpu.memory_space<vmem>>) offsets(%dma_start3A_29 : memref<200xi32, #tpu.memory_space<vmem>>) semaphore(%arg19 : memref<!tpu.dma_semaphore, #tpu.memory_space<semaphore_mem>>)
    %scan3A = arith.constant 0 : i32
    %scan3A_33 = arith.constant 0 : i32
    %scan3A_34 = arith.constant 8 : i32
    %scan3A_35 = arith.addi %scan3A_33, %scan3A_34 : i32
    %scan3A_36 = arith.constant 1 : i32
    scf.for %scan3A_40 = %scan3A_33 to %scan3A_35 step %scan3A_36  : i32 {
      %mul3A_41 = arith.constant 4 : i32
      %mul3A_42 = arith.muli %scan3A_40, %mul3A_41 : i32
      %add3A_43 = arith.constant 0 : i32
      %add3A_44 = arith.addi %mul3A_42, %add3A_43 : i32
      %dma_wait3A_45 = arith.constant 0 : i32
      %dma_wait3A_46 = arith.constant 0 : i32
      %dma_wait3A_47 = tpu.memref_slice %arg9[%dma_wait3A_45, %dma_wait3A_46] : memref<32x200xi32, #tpu.memory_space<vmem>> -> memref<1x200xi32, #tpu.memory_space<vmem>>
      %dma_wait3A_48 = tpu.memref_squeeze %dma_wait3A_47 : memref<1x200xi32, #tpu.memory_space<vmem>> -> memref<200xi32, #tpu.memory_space<vmem>>
      %dma_wait3A_49 = arith.constant 0 : i32
      %dma_wait3A_50 = arith.constant 0 : i32
      %dma_wait3A_51 = tpu.memref_slice %arg4[%dma_wait3A_49, %dma_wait3A_50] : memref<1000000x64xf32, #tpu.memory_space<hbm>> -> memref<1000000x64xf32, #tpu.memory_space<hbm>>
      tpu.wait_indirect_dma semaphore(%arg16 : memref<!tpu.dma_semaphore, #tpu.memory_space<semaphore_mem>>) src(%dma_wait3A_51 : memref<1000000x64xf32, #tpu.memory_space<hbm>>) dst(%arg12 : memref<200x64xf32, #tpu.memory_space<vmem>>)
      %broadcast_in_dim3A = arith.constant 0.000000e+00 : f32
      %broadcast_in_dim3A_52 = vector.broadcast %broadcast_in_dim3A : f32 to vector<16xf32>
      %broadcast_in_dim3A_53 = arith.constant 0.000000e+00 : f32
      %broadcast_in_dim3A_54 = vector.broadcast %broadcast_in_dim3A_53 : f32 to vector<16xf32>
      %broadcast_in_dim3A_55 = arith.constant 0.000000e+00 : f32
      %broadcast_in_dim3A_56 = vector.broadcast %broadcast_in_dim3A_55 : f32 to vector<16xf32>
      %broadcast_in_dim3A_57 = arith.constant 0.000000e+00 : f32
      %broadcast_in_dim3A_58 = vector.broadcast %broadcast_in_dim3A_57 : f32 to vector<16xf32>
      %scan3A_59 = arith.constant 0 : i32
      %scan3A_60 = arith.constant 50 : i32
      %scan3A_61 = arith.addi %scan3A_59, %scan3A_60 : i32
      %scan3A_62 = arith.constant 1 : i32
      %scan3A_63:4 = scf.for %scan3A_716 = %scan3A_59 to %scan3A_61 step %scan3A_62 iter_args(%scan3A_717 = %broadcast_in_dim3A_52, %scan3A_718 = %broadcast_in_dim3A_54, %scan3A_719 = %broadcast_in_dim3A_56, %scan3A_720 = %broadcast_in_dim3A_58) -> (vector<16xf32>, vector<16xf32>, vector<16xf32>, vector<16xf32>)  : i32 {
        %add3A_721 = arith.constant 0 : i32
        %add3A_722 = arith.addi %add3A_721, %scan3A_716 : i32
        %get3A = arith.index_cast %add3A_722 : i32 to index
        %get3A_723 = arith.constant 0 : index
        %get3A_724 = tpu.vector_load %arg12[%get3A, %get3A_723] {strides = array<i32>} : memref<200x64xf32, #tpu.memory_space<vmem>>, vector<1x16xf32>,
        %get3A_725 = vector.shape_cast %get3A_724 : vector<1x16xf32> to vector<16xf32>
        %add3A_726 = arith.addf %scan3A_717, %get3A_725 : vector<16xf32>
        %get3A_727 = arith.index_cast %add3A_722 : i32 to index
        %get3A_728 = arith.constant 16 : index
        %get3A_729 = tpu.vector_load %arg12[%get3A_727, %get3A_728] {strides = array<i32>} : memref<200x64xf32, #tpu.memory_space<vmem>>, vector<1x16xf32>,
        %get3A_730 = vector.shape_cast %get3A_729 : vector<1x16xf32> to vector<16xf32>
        %add3A_731 = arith.addf %scan3A_718, %get3A_730 : vector<16xf32>
        %get3A_732 = arith.index_cast %add3A_722 : i32 to index
        %get3A_733 = arith.constant 32 : index
        %get3A_734 = tpu.vector_load %arg12[%get3A_732, %get3A_733] {strides = array<i32>} : memref<200x64xf32, #tpu.memory_space<vmem>>, vector<1x16xf32>,
        %get3A_735 = vector.shape_cast %get3A_734 : vector<1x16xf32> to vector<16xf32>
        %add3A_736 = arith.addf %scan3A_719, %get3A_735 : vector<16xf32>
        %get3A_737 = arith.index_cast %add3A_722 : i32 to index
        %get3A_738 = arith.constant 48 : index
        %get3A_739 = tpu.vector_load %arg12[%get3A_737, %get3A_738] {strides = array<i32>} : memref<200x64xf32, #tpu.memory_space<vmem>>, vector<1x16xf32>,
        %get3A_740 = vector.shape_cast %get3A_739 : vector<1x16xf32> to vector<16xf32>
        %add3A_741 = arith.addf %scan3A_720, %get3A_740 : vector<16xf32>
        scf.yield %add3A_726, %add3A_731, %add3A_736, %add3A_741 : vector<16xf32>, vector<16xf32>, vector<16xf32>, vector<16xf32>
      }
      %scan3A_64 = arith.constant 50 : i32
      %mul3A_65 = arith.constant 4 : i32
      %mul3A_66 = arith.muli %add3A_44, %mul3A_65 : i32
      %add3A_67 = arith.constant 0 : i32
      %add3A_68 = arith.addi %mul3A_66, %add3A_67 : i32
      %swap3A = arith.index_cast %add3A_68 : i32 to index
      %swap3A_69 = arith.constant 0 : index
      %swap3A_70 = tpu.vector_load %arg10[%swap3A, %swap3A_69] {strides = array<i32>} : memref<128x64xf32, #tpu.memory_space<vmem>>, vector<1x16xf32>,
      %swap3A_71 = vector.shape_cast %swap3A_70 : vector<1x16xf32> to vector<16xf32>
      %swap3A_72 = vector.shape_cast %scan3A_63#0 : vector<16xf32> to vector<1x16xf32>
      tpu.vector_store %arg10[%swap3A, %swap3A_69], %swap3A_72 {strides = array<i32>} : memref<128x64xf32, #tpu.memory_space<vmem>>, vector<1x16xf32>,
      %swap3A_73 = arith.index_cast %add3A_68 : i32 to index
      %swap3A_74 = arith.constant 16 : index
      %swap3A_75 = tpu.vector_load %arg10[%swap3A_73, %swap3A_74] {strides = array<i32>} : memref<128x64xf32, #tpu.memory_space<vmem>>, vector<1x16xf32>,
      %swap3A_76 = vector.shape_cast %swap3A_75 : vector<1x16xf32> to vector<16xf32>
      %swap3A_77 = vector.shape_cast %scan3A_63#1 : vector<16xf32> to vector<1x16xf32>
      tpu.vector_store %arg10[%swap3A_73, %swap3A_74], %swap3A_77 {strides = array<i32>} : memref<128x64xf32, #tpu.memory_space<vmem>>, vector<1x16xf32>,
      %swap3A_78 = arith.index_cast %add3A_68 : i32 to index
      %swap3A_79 = arith.constant 32 : index
      %swap3A_80 = tpu.vector_load %arg10[%swap3A_78, %swap3A_79] {strides = array<i32>} : memref<128x64xf32, #tpu.memory_space<vmem>>, vector<1x16xf32>,
      %swap3A_81 = vector.shape_cast %swap3A_80 : vector<1x16xf32> to vector<16xf32>
      %swap3A_82 = vector.shape_cast %scan3A_63#2 : vector<16xf32> to vector<1x16xf32>
      tpu.vector_store %arg10[%swap3A_78, %swap3A_79], %swap3A_82 {strides = array<i32>} : memref<128x64xf32, #tpu.memory_space<vmem>>, vector<1x16xf32>,
      %swap3A_83 = arith.index_cast %add3A_68 : i32 to index
      %swap3A_84 = arith.constant 48 : index
      %swap3A_85 = tpu.vector_load %arg10[%swap3A_83, %swap3A_84] {strides = array<i32>} : memref<128x64xf32, #tpu.memory_space<vmem>>, vector<1x16xf32>,
      %swap3A_86 = vector.shape_cast %swap3A_85 : vector<1x16xf32> to vector<16xf32>
      %swap3A_87 = vector.shape_cast %scan3A_63#3 : vector<16xf32> to vector<1x16xf32>
      tpu.vector_store %arg10[%swap3A_83, %swap3A_84], %swap3A_87 {strides = array<i32>} : memref<128x64xf32, #tpu.memory_space<vmem>>, vector<1x16xf32>,
      %broadcast_in_dim3A_88 = arith.constant 0.000000e+00 : f32
      %broadcast_in_dim3A_89 = vector.broadcast %broadcast_in_dim3A_88 : f32 to vector<16xf32>
      %broadcast_in_dim3A_90 = arith.constant 0.000000e+00 : f32
      %broadcast_in_dim3A_91 = vector.broadcast %broadcast_in_dim3A_90 : f32 to vector<16xf32>
      %broadcast_in_dim3A_92 = arith.constant 0.000000e+00 : f32
      %broadcast_in_dim3A_93 = vector.broadcast %broadcast_in_dim3A_92 : f32 to vector<16xf32>
      %broadcast_in_dim3A_94 = arith.constant 0.000000e+00 : f32
      %broadcast_in_dim3A_95 = vector.broadcast %broadcast_in_dim3A_94 : f32 to vector<16xf32>
      %scan3A_96 = arith.constant 0 : i32
      %scan3A_97 = arith.constant 50 : i32
      %scan3A_98 = arith.addi %scan3A_96, %scan3A_97 : i32
      %scan3A_99 = arith.constant 1 : i32
      %scan3A_100:4 = scf.for %scan3A_716 = %scan3A_96 to %scan3A_98 step %scan3A_99 iter_args(%scan3A_717 = %broadcast_in_dim3A_89, %scan3A_718 = %broadcast_in_dim3A_91, %scan3A_719 = %broadcast_in_dim3A_93, %scan3A_720 = %broadcast_in_dim3A_95) -> (vector<16xf32>, vector<16xf32>, vector<16xf32>, vector<16xf32>)  : i32 {
        %add3A_721 = arith.constant 50 : i32
        %add3A_722 = arith.addi %add3A_721, %scan3A_716 : i32
        %get3A = arith.index_cast %add3A_722 : i32 to index
        %get3A_723 = arith.constant 0 : index
        %get3A_724 = tpu.vector_load %arg12[%get3A, %get3A_723] {strides = array<i32>} : memref<200x64xf32, #tpu.memory_space<vmem>>, vector<1x16xf32>,
        %get3A_725 = vector.shape_cast %get3A_724 : vector<1x16xf32> to vector<16xf32>
        %add3A_726 = arith.addf %scan3A_717, %get3A_725 : vector<16xf32>
        %get3A_727 = arith.index_cast %add3A_722 : i32 to index
        %get3A_728 = arith.constant 16 : index
        %get3A_729 = tpu.vector_load %arg12[%get3A_727, %get3A_728] {strides = array<i32>} : memref<200x64xf32, #tpu.memory_space<vmem>>, vector<1x16xf32>,
        %get3A_730 = vector.shape_cast %get3A_729 : vector<1x16xf32> to vector<16xf32>
        %add3A_731 = arith.addf %scan3A_718, %get3A_730 : vector<16xf32>
        %get3A_732 = arith.index_cast %add3A_722 : i32 to index
        %get3A_733 = arith.constant 32 : index
        %get3A_734 = tpu.vector_load %arg12[%get3A_732, %get3A_733] {strides = array<i32>} : memref<200x64xf32, #tpu.memory_space<vmem>>, vector<1x16xf32>,
        %get3A_735 = vector.shape_cast %get3A_734 : vector<1x16xf32> to vector<16xf32>
        %add3A_736 = arith.addf %scan3A_719, %get3A_735 : vector<16xf32>
        %get3A_737 = arith.index_cast %add3A_722 : i32 to index
        %get3A_738 = arith.constant 48 : index
        %get3A_739 = tpu.vector_load %arg12[%get3A_737, %get3A_738] {strides = array<i32>} : memref<200x64xf32, #tpu.memory_space<vmem>>, vector<1x16xf32>,
        %get3A_740 = vector.shape_cast %get3A_739 : vector<1x16xf32> to vector<16xf32>
        %add3A_741 = arith.addf %scan3A_720, %get3A_740 : vector<16xf32>
        scf.yield %add3A_726, %add3A_731, %add3A_736, %add3A_741 : vector<16xf32>, vector<16xf32>, vector<16xf32>, vector<16xf32>
      }
      %scan3A_101 = arith.constant 50 : i32
      %mul3A_102 = arith.constant 4 : i32
      %mul3A_103 = arith.muli %add3A_44, %mul3A_102 : i32
      %add3A_104 = arith.constant 1 : i32
      %add3A_105 = arith.addi %mul3A_103, %add3A_104 : i32
      %swap3A_106 = arith.index_cast %add3A_105 : i32 to index
      %swap3A_107 = arith.constant 0 : index
      %swap3A_108 = tpu.vector_load %arg10[%swap3A_106, %swap3A_107] {strides = array<i32>} : memref<128x64xf32, #tpu.memory_space<vmem>>, vector<1x16xf32>,
      %swap3A_109 = vector.shape_cast %swap3A_108 : vector<1x16xf32> to vector<16xf32>
      %swap3A_110 = vector.shape_cast %scan3A_100#0 : vector<16xf32> to vector<1x16xf32>
      tpu.vector_store %arg10[%swap3A_106, %swap3A_107], %swap3A_110 {strides = array<i32>} : memref<128x64xf32, #tpu.memory_space<vmem>>, vector<1x16xf32>,
      %swap3A_111 = arith.index_cast %add3A_105 : i32 to index
      %swap3A_112 = arith.constant 16 : index
      %swap3A_113 = tpu.vector_load %arg10[%swap3A_111, %swap3A_112] {strides = array<i32>} : memref<128x64xf32, #tpu.memory_space<vmem>>, vector<1x16xf32>,
      %swap3A_114 = vector.shape_cast %swap3A_113 : vector<1x16xf32> to vector<16xf32>
      %swap3A_115 = vector.shape_cast %scan3A_100#1 : vector<16xf32> to vector<1x16xf32>
      tpu.vector_store %arg10[%swap3A_111, %swap3A_112], %swap3A_115 {strides = array<i32>} : memref<128x64xf32, #tpu.memory_space<vmem>>, vector<1x16xf32>,
      %swap3A_116 = arith.index_cast %add3A_105 : i32 to index
      %swap3A_117 = arith.constant 32 : index
      %swap3A_118 = tpu.vector_load %arg10[%swap3A_116, %swap3A_117] {strides = array<i32>} : memref<128x64xf32, #tpu.memory_space<vmem>>, vector<1x16xf32>,
      %swap3A_119 = vector.shape_cast %swap3A_118 : vector<1x16xf32> to vector<16xf32>
      %swap3A_120 = vector.shape_cast %scan3A_100#2 : vector<16xf32> to vector<1x16xf32>
      tpu.vector_store %arg10[%swap3A_116, %swap3A_117], %swap3A_120 {strides = array<i32>} : memref<128x64xf32, #tpu.memory_space<vmem>>, vector<1x16xf32>,
      %swap3A_121 = arith.index_cast %add3A_105 : i32 to index
      %swap3A_122 = arith.constant 48 : index
      %swap3A_123 = tpu.vector_load %arg10[%swap3A_121, %swap3A_122] {strides = array<i32>} : memref<128x64xf32, #tpu.memory_space<vmem>>, vector<1x16xf32>,
      %swap3A_124 = vector.shape_cast %swap3A_123 : vector<1x16xf32> to vector<16xf32>
      %swap3A_125 = vector.shape_cast %scan3A_100#3 : vector<16xf32> to vector<1x16xf32>
      tpu.vector_store %arg10[%swap3A_121, %swap3A_122], %swap3A_125 {strides = array<i32>} : memref<128x64xf32, #tpu.memory_space<vmem>>, vector<1x16xf32>,
      %broadcast_in_dim3A_126 = arith.constant 0.000000e+00 : f32
      %broadcast_in_dim3A_127 = vector.broadcast %broadcast_in_dim3A_126 : f32 to vector<16xf32>
      %broadcast_in_dim3A_128 = arith.constant 0.000000e+00 : f32
      %broadcast_in_dim3A_129 = vector.broadcast %broadcast_in_dim3A_128 : f32 to vector<16xf32>
      %broadcast_in_dim3A_130 = arith.constant 0.000000e+00 : f32
      %broadcast_in_dim3A_131 = vector.broadcast %broadcast_in_dim3A_130 : f32 to vector<16xf32>
      %broadcast_in_dim3A_132 = arith.constant 0.000000e+00 : f32
      %broadcast_in_dim3A_133 = vector.broadcast %broadcast_in_dim3A_132 : f32 to vector<16xf32>
      %scan3A_134 = arith.constant 0 : i32
      %scan3A_135 = arith.constant 50 : i32
      %scan3A_136 = arith.addi %scan3A_134, %scan3A_135 : i32
      %scan3A_137 = arith.constant 1 : i32
      %scan3A_138:4 = scf.for %scan3A_716 = %scan3A_134 to %scan3A_136 step %scan3A_137 iter_args(%scan3A_717 = %broadcast_in_dim3A_127, %scan3A_718 = %broadcast_in_dim3A_129, %scan3A_719 = %broadcast_in_dim3A_131, %scan3A_720 = %broadcast_in_dim3A_133) -> (vector<16xf32>, vector<16xf32>, vector<16xf32>, vector<16xf32>)  : i32 {
        %add3A_721 = arith.constant 100 : i32
        %add3A_722 = arith.addi %add3A_721, %scan3A_716 : i32
        %get3A = arith.index_cast %add3A_722 : i32 to index
        %get3A_723 = arith.constant 0 : index
        %get3A_724 = tpu.vector_load %arg12[%get3A, %get3A_723] {strides = array<i32>} : memref<200x64xf32, #tpu.memory_space<vmem>>, vector<1x16xf32>,
        %get3A_725 = vector.shape_cast %get3A_724 : vector<1x16xf32> to vector<16xf32>
        %add3A_726 = arith.addf %scan3A_717, %get3A_725 : vector<16xf32>
        %get3A_727 = arith.index_cast %add3A_722 : i32 to index
        %get3A_728 = arith.constant 16 : index
        %get3A_729 = tpu.vector_load %arg12[%get3A_727, %get3A_728] {strides = array<i32>} : memref<200x64xf32, #tpu.memory_space<vmem>>, vector<1x16xf32>,
        %get3A_730 = vector.shape_cast %get3A_729 : vector<1x16xf32> to vector<16xf32>
        %add3A_731 = arith.addf %scan3A_718, %get3A_730 : vector<16xf32>
        %get3A_732 = arith.index_cast %add3A_722 : i32 to index
        %get3A_733 = arith.constant 32 : index
        %get3A_734 = tpu.vector_load %arg12[%get3A_732, %get3A_733] {strides = array<i32>} : memref<200x64xf32, #tpu.memory_space<vmem>>, vector<1x16xf32>,
        %get3A_735 = vector.shape_cast %get3A_734 : vector<1x16xf32> to vector<16xf32>
        %add3A_736 = arith.addf %scan3A_719, %get3A_735 : vector<16xf32>
        %get3A_737 = arith.index_cast %add3A_722 : i32 to index
        %get3A_738 = arith.constant 48 : index
        %get3A_739 = tpu.vector_load %arg12[%get3A_737, %get3A_738] {strides = array<i32>} : memref<200x64xf32, #tpu.memory_space<vmem>>, vector<1x16xf32>,
        %get3A_740 = vector.shape_cast %get3A_739 : vector<1x16xf32> to vector<16xf32>
        %add3A_741 = arith.addf %scan3A_720, %get3A_740 : vector<16xf32>
        scf.yield %add3A_726, %add3A_731, %add3A_736, %add3A_741 : vector<16xf32>, vector<16xf32>, vector<16xf32>, vector<16xf32>
      }
      %scan3A_139 = arith.constant 50 : i32
      %mul3A_140 = arith.constant 4 : i32
      %mul3A_141 = arith.muli %add3A_44, %mul3A_140 : i32
      %add3A_142 = arith.constant 2 : i32
      %add3A_143 = arith.addi %mul3A_141, %add3A_142 : i32
      %swap3A_144 = arith.index_cast %add3A_143 : i32 to index
      %swap3A_145 = arith.constant 0 : index
      %swap3A_146 = tpu.vector_load %arg10[%swap3A_144, %swap3A_145] {strides = array<i32>} : memref<128x64xf32, #tpu.memory_space<vmem>>, vector<1x16xf32>,
      %swap3A_147 = vector.shape_cast %swap3A_146 : vector<1x16xf32> to vector<16xf32>
      %swap3A_148 = vector.shape_cast %scan3A_138#0 : vector<16xf32> to vector<1x16xf32>
      tpu.vector_store %arg10[%swap3A_144, %swap3A_145], %swap3A_148 {strides = array<i32>} : memref<128x64xf32, #tpu.memory_space<vmem>>, vector<1x16xf32>,
      %swap3A_149 = arith.index_cast %add3A_143 : i32 to index
      %swap3A_150 = arith.constant 16 : index
      %swap3A_151 = tpu.vector_load %arg10[%swap3A_149, %swap3A_150] {strides = array<i32>} : memref<128x64xf32, #tpu.memory_space<vmem>>, vector<1x16xf32>,
      %swap3A_152 = vector.shape_cast %swap3A_151 : vector<1x16xf32> to vector<16xf32>
      %swap3A_153 = vector.shape_cast %scan3A_138#1 : vector<16xf32> to vector<1x16xf32>
      tpu.vector_store %arg10[%swap3A_149, %swap3A_150], %swap3A_153 {strides = array<i32>} : memref<128x64xf32, #tpu.memory_space<vmem>>, vector<1x16xf32>,
      %swap3A_154 = arith.index_cast %add3A_143 : i32 to index
      %swap3A_155 = arith.constant 32 : index
      %swap3A_156 = tpu.vector_load %arg10[%swap3A_154, %swap3A_155] {strides = array<i32>} : memref<128x64xf32, #tpu.memory_space<vmem>>, vector<1x16xf32>,
      %swap3A_157 = vector.shape_cast %swap3A_156 : vector<1x16xf32> to vector<16xf32>
      %swap3A_158 = vector.shape_cast %scan3A_138#2 : vector<16xf32> to vector<1x16xf32>
      tpu.vector_store %arg10[%swap3A_154, %swap3A_155], %swap3A_158 {strides = array<i32>} : memref<128x64xf32, #tpu.memory_space<vmem>>, vector<1x16xf32>,
      %swap3A_159 = arith.index_cast %add3A_143 : i32 to index
      %swap3A_160 = arith.constant 48 : index
      %swap3A_161 = tpu.vector_load %arg10[%swap3A_159, %swap3A_160] {strides = array<i32>} : memref<128x64xf32, #tpu.memory_space<vmem>>, vector<1x16xf32>,
      %swap3A_162 = vector.shape_cast %swap3A_161 : vector<1x16xf32> to vector<16xf32>
      %swap3A_163 = vector.shape_cast %scan3A_138#3 : vector<16xf32> to vector<1x16xf32>
      tpu.vector_store %arg10[%swap3A_159, %swap3A_160], %swap3A_163 {strides = array<i32>} : memref<128x64xf32, #tpu.memory_space<vmem>>, vector<1x16xf32>,
      %broadcast_in_dim3A_164 = arith.constant 0.000000e+00 : f32
      %broadcast_in_dim3A_165 = vector.broadcast %broadcast_in_dim3A_164 : f32 to vector<16xf32>
      %broadcast_in_dim3A_166 = arith.constant 0.000000e+00 : f32
      %broadcast_in_dim3A_167 = vector.broadcast %broadcast_in_dim3A_166 : f32 to vector<16xf32>
      %broadcast_in_dim3A_168 = arith.constant 0.000000e+00 : f32
      %broadcast_in_dim3A_169 = vector.broadcast %broadcast_in_dim3A_168 : f32 to vector<16xf32>
      %broadcast_in_dim3A_170 = arith.constant 0.000000e+00 : f32
      %broadcast_in_dim3A_171 = vector.broadcast %broadcast_in_dim3A_170 : f32 to vector<16xf32>
      %scan3A_172 = arith.constant 0 : i32
      %scan3A_173 = arith.constant 50 : i32
      %scan3A_174 = arith.addi %scan3A_172, %scan3A_173 : i32
      %scan3A_175 = arith.constant 1 : i32
      %scan3A_176:4 = scf.for %scan3A_716 = %scan3A_172 to %scan3A_174 step %scan3A_175 iter_args(%scan3A_717 = %broadcast_in_dim3A_165, %scan3A_718 = %broadcast_in_dim3A_167, %scan3A_719 = %broadcast_in_dim3A_169, %scan3A_720 = %broadcast_in_dim3A_171) -> (vector<16xf32>, vector<16xf32>, vector<16xf32>, vector<16xf32>)  : i32 {
        %add3A_721 = arith.constant 150 : i32
        %add3A_722 = arith.addi %add3A_721, %scan3A_716 : i32
        %get3A = arith.index_cast %add3A_722 : i32 to index
        %get3A_723 = arith.constant 0 : index
        %get3A_724 = tpu.vector_load %arg12[%get3A, %get3A_723] {strides = array<i32>} : memref<200x64xf32, #tpu.memory_space<vmem>>, vector<1x16xf32>,
        %get3A_725 = vector.shape_cast %get3A_724 : vector<1x16xf32> to vector<16xf32>
        %add3A_726 = arith.addf %scan3A_717, %get3A_725 : vector<16xf32>
        %get3A_727 = arith.index_cast %add3A_722 : i32 to index
        %get3A_728 = arith.constant 16 : index
        %get3A_729 = tpu.vector_load %arg12[%get3A_727, %get3A_728] {strides = array<i32>} : memref<200x64xf32, #tpu.memory_space<vmem>>, vector<1x16xf32>,
        %get3A_730 = vector.shape_cast %get3A_729 : vector<1x16xf32> to vector<16xf32>
        %add3A_731 = arith.addf %scan3A_718, %get3A_730 : vector<16xf32>
        %get3A_732 = arith.index_cast %add3A_722 : i32 to index
        %get3A_733 = arith.constant 32 : index
        %get3A_734 = tpu.vector_load %arg12[%get3A_732, %get3A_733] {strides = array<i32>} : memref<200x64xf32, #tpu.memory_space<vmem>>, vector<1x16xf32>,
        %get3A_735 = vector.shape_cast %get3A_734 : vector<1x16xf32> to vector<16xf32>
        %add3A_736 = arith.addf %scan3A_719, %get3A_735 : vector<16xf32>
        %get3A_737 = arith.index_cast %add3A_722 : i32 to index
        %get3A_738 = arith.constant 48 : index
        %get3A_739 = tpu.vector_load %arg12[%get3A_737, %get3A_738] {strides = array<i32>} : memref<200x64xf32, #tpu.memory_space<vmem>>, vector<1x16xf32>,
        %get3A_740 = vector.shape_cast %get3A_739 : vector<1x16xf32> to vector<16xf32>
        %add3A_741 = arith.addf %scan3A_720, %get3A_740 : vector<16xf32>
        scf.yield %add3A_726, %add3A_731, %add3A_736, %add3A_741 : vector<16xf32>, vector<16xf32>, vector<16xf32>, vector<16xf32>
      }
      %scan3A_177 = arith.constant 50 : i32
      %mul3A_178 = arith.constant 4 : i32
      %mul3A_179 = arith.muli %add3A_44, %mul3A_178 : i32
      %add3A_180 = arith.constant 3 : i32
      %add3A_181 = arith.addi %mul3A_179, %add3A_180 : i32
      %swap3A_182 = arith.index_cast %add3A_181 : i32 to index
      %swap3A_183 = arith.constant 0 : index
      %swap3A_184 = tpu.vector_load %arg10[%swap3A_182, %swap3A_183] {strides = array<i32>} : memref<128x64xf32, #tpu.memory_space<vmem>>, vector<1x16xf32>,
      %swap3A_185 = vector.shape_cast %swap3A_184 : vector<1x16xf32> to vector<16xf32>
      %swap3A_186 = vector.shape_cast %scan3A_176#0 : vector<16xf32> to vector<1x16xf32>
      tpu.vector_store %arg10[%swap3A_182, %swap3A_183], %swap3A_186 {strides = array<i32>} : memref<128x64xf32, #tpu.memory_space<vmem>>, vector<1x16xf32>,
      %swap3A_187 = arith.index_cast %add3A_181 : i32 to index
      %swap3A_188 = arith.constant 16 : index
      %swap3A_189 = tpu.vector_load %arg10[%swap3A_187, %swap3A_188] {strides = array<i32>} : memref<128x64xf32, #tpu.memory_space<vmem>>, vector<1x16xf32>,
      %swap3A_190 = vector.shape_cast %swap3A_189 : vector<1x16xf32> to vector<16xf32>
      %swap3A_191 = vector.shape_cast %scan3A_176#1 : vector<16xf32> to vector<1x16xf32>
      tpu.vector_store %arg10[%swap3A_187, %swap3A_188], %swap3A_191 {strides = array<i32>} : memref<128x64xf32, #tpu.memory_space<vmem>>, vector<1x16xf32>,
      %swap3A_192 = arith.index_cast %add3A_181 : i32 to index
      %swap3A_193 = arith.constant 32 : index
      %swap3A_194 = tpu.vector_load %arg10[%swap3A_192, %swap3A_193] {strides = array<i32>} : memref<128x64xf32, #tpu.memory_space<vmem>>, vector<1x16xf32>,
      %swap3A_195 = vector.shape_cast %swap3A_194 : vector<1x16xf32> to vector<16xf32>
      %swap3A_196 = vector.shape_cast %scan3A_176#2 : vector<16xf32> to vector<1x16xf32>
      tpu.vector_store %arg10[%swap3A_192, %swap3A_193], %swap3A_196 {strides = array<i32>} : memref<128x64xf32, #tpu.memory_space<vmem>>, vector<1x16xf32>,
      %swap3A_197 = arith.index_cast %add3A_181 : i32 to index
      %swap3A_198 = arith.constant 48 : index
      %swap3A_199 = tpu.vector_load %arg10[%swap3A_197, %swap3A_198] {strides = array<i32>} : memref<128x64xf32, #tpu.memory_space<vmem>>, vector<1x16xf32>,
      %swap3A_200 = vector.shape_cast %swap3A_199 : vector<1x16xf32> to vector<16xf32>
      %swap3A_201 = vector.shape_cast %scan3A_176#3 : vector<16xf32> to vector<1x16xf32>
      tpu.vector_store %arg10[%swap3A_197, %swap3A_198], %swap3A_201 {strides = array<i32>} : memref<128x64xf32, #tpu.memory_space<vmem>>, vector<1x16xf32>,
      %add3A_202 = arith.constant 4 : i32
      %add3A_203 = arith.addi %add3A_44, %add3A_202 : i32
      %lt3A = arith.constant 32 : i32
      %lt3A_204 = arith.cmpi slt, %add3A_203, %lt3A : i32
      %convert_element_type3A = arith.extui %lt3A_204 : i1 to i32
      %cond3A = arith.constant 0 : i32
      %cond3A_205 = arith.cmpi ne, %convert_element_type3A, %cond3A : i32
      scf.if %cond3A_205 {
        %add3A_716 = arith.constant 4 : i32
        %add3A_717 = arith.addi %add3A_44, %add3A_716 : i32
        %dma_start3A_718 = arith.constant 0 : i32
        %dma_start3A_719 = tpu.memref_slice %arg9[%add3A_717, %dma_start3A_718] : memref<32x200xi32, #tpu.memory_space<vmem>> -> memref<1x200xi32, #tpu.memory_space<vmem>>
        %dma_start3A_720 = tpu.memref_squeeze %dma_start3A_719 : memref<1x200xi32, #tpu.memory_space<vmem>> -> memref<200xi32, #tpu.memory_space<vmem>>
        %dma_start3A_721 = arith.constant 0 : i32
        %dma_start3A_722 = arith.constant 0 : i32
        %dma_start3A_723 = tpu.memref_slice %arg4[%dma_start3A_721, %dma_start3A_722] : memref<1000000x64xf32, #tpu.memory_space<hbm>> -> memref<1000000x64xf32, #tpu.memory_space<hbm>>
        tpu.enqueue_indirect_dma source(%dma_start3A_723 : memref<1000000x64xf32, #tpu.memory_space<hbm>>) target(%arg12 : memref<200x64xf32, #tpu.memory_space<vmem>>) offsets(%dma_start3A_720 : memref<200xi32, #tpu.memory_space<vmem>>) semaphore(%arg16 : memref<!tpu.dma_semaphore, #tpu.memory_space<semaphore_mem>>)
      } else {
      }
      %mul3A_206 = arith.constant 4 : i32
      %mul3A_207 = arith.muli %scan3A_40, %mul3A_206 : i32
      %add3A_208 = arith.constant 1 : i32
      %add3A_209 = arith.addi %mul3A_207, %add3A_208 : i32
      %dma_wait3A_210 = arith.constant 0 : i32
      %dma_wait3A_211 = arith.constant 0 : i32
      %dma_wait3A_212 = tpu.memref_slice %arg9[%dma_wait3A_210, %dma_wait3A_211] : memref<32x200xi32, #tpu.memory_space<vmem>> -> memref<1x200xi32, #tpu.memory_space<vmem>>
      %dma_wait3A_213 = tpu.memref_squeeze %dma_wait3A_212 : memref<1x200xi32, #tpu.memory_space<vmem>> -> memref<200xi32, #tpu.memory_space<vmem>>
      %dma_wait3A_214 = arith.constant 0 : i32
      %dma_wait3A_215 = arith.constant 0 : i32
      %dma_wait3A_216 = tpu.memref_slice %arg4[%dma_wait3A_214, %dma_wait3A_215] : memref<1000000x64xf32, #tpu.memory_space<hbm>> -> memref<1000000x64xf32, #tpu.memory_space<hbm>>
      tpu.wait_indirect_dma semaphore(%arg17 : memref<!tpu.dma_semaphore, #tpu.memory_space<semaphore_mem>>) src(%dma_wait3A_216 : memref<1000000x64xf32, #tpu.memory_space<hbm>>) dst(%arg13 : memref<200x64xf32, #tpu.memory_space<vmem>>)
      %broadcast_in_dim3A_217 = arith.constant 0.000000e+00 : f32
      %broadcast_in_dim3A_218 = vector.broadcast %broadcast_in_dim3A_217 : f32 to vector<16xf32>
      %broadcast_in_dim3A_219 = arith.constant 0.000000e+00 : f32
      %broadcast_in_dim3A_220 = vector.broadcast %broadcast_in_dim3A_219 : f32 to vector<16xf32>
      %broadcast_in_dim3A_221 = arith.constant 0.000000e+00 : f32
      %broadcast_in_dim3A_222 = vector.broadcast %broadcast_in_dim3A_221 : f32 to vector<16xf32>
      %broadcast_in_dim3A_223 = arith.constant 0.000000e+00 : f32
      %broadcast_in_dim3A_224 = vector.broadcast %broadcast_in_dim3A_223 : f32 to vector<16xf32>
      %scan3A_225 = arith.constant 0 : i32
      %scan3A_226 = arith.constant 50 : i32
      %scan3A_227 = arith.addi %scan3A_225, %scan3A_226 : i32
      %scan3A_228 = arith.constant 1 : i32
      %scan3A_229:4 = scf.for %scan3A_716 = %scan3A_225 to %scan3A_227 step %scan3A_228 iter_args(%scan3A_717 = %broadcast_in_dim3A_218, %scan3A_718 = %broadcast_in_dim3A_220, %scan3A_719 = %broadcast_in_dim3A_222, %scan3A_720 = %broadcast_in_dim3A_224) -> (vector<16xf32>, vector<16xf32>, vector<16xf32>, vector<16xf32>)  : i32 {
        %add3A_721 = arith.constant 0 : i32
        %add3A_722 = arith.addi %add3A_721, %scan3A_716 : i32
        %get3A = arith.index_cast %add3A_722 : i32 to index
        %get3A_723 = arith.constant 0 : index
        %get3A_724 = tpu.vector_load %arg13[%get3A, %get3A_723] {strides = array<i32>} : memref<200x64xf32, #tpu.memory_space<vmem>>, vector<1x16xf32>,
        %get3A_725 = vector.shape_cast %get3A_724 : vector<1x16xf32> to vector<16xf32>
        %add3A_726 = arith.addf %scan3A_717, %get3A_725 : vector<16xf32>
        %get3A_727 = arith.index_cast %add3A_722 : i32 to index
        %get3A_728 = arith.constant 16 : index
        %get3A_729 = tpu.vector_load %arg13[%get3A_727, %get3A_728] {strides = array<i32>} : memref<200x64xf32, #tpu.memory_space<vmem>>, vector<1x16xf32>,
        %get3A_730 = vector.shape_cast %get3A_729 : vector<1x16xf32> to vector<16xf32>
        %add3A_731 = arith.addf %scan3A_718, %get3A_730 : vector<16xf32>
        %get3A_732 = arith.index_cast %add3A_722 : i32 to index
        %get3A_733 = arith.constant 32 : index
        %get3A_734 = tpu.vector_load %arg13[%get3A_732, %get3A_733] {strides = array<i32>} : memref<200x64xf32, #tpu.memory_space<vmem>>, vector<1x16xf32>,
        %get3A_735 = vector.shape_cast %get3A_734 : vector<1x16xf32> to vector<16xf32>
        %add3A_736 = arith.addf %scan3A_719, %get3A_735 : vector<16xf32>
        %get3A_737 = arith.index_cast %add3A_722 : i32 to index
        %get3A_738 = arith.constant 48 : index
        %get3A_739 = tpu.vector_load %arg13[%get3A_737, %get3A_738] {strides = array<i32>} : memref<200x64xf32, #tpu.memory_space<vmem>>, vector<1x16xf32>,
        %get3A_740 = vector.shape_cast %get3A_739 : vector<1x16xf32> to vector<16xf32>
        %add3A_741 = arith.addf %scan3A_720, %get3A_740 : vector<16xf32>
        scf.yield %add3A_726, %add3A_731, %add3A_736, %add3A_741 : vector<16xf32>, vector<16xf32>, vector<16xf32>, vector<16xf32>
      }
      %scan3A_230 = arith.constant 50 : i32
      %mul3A_231 = arith.constant 4 : i32
      %mul3A_232 = arith.muli %add3A_209, %mul3A_231 : i32
      %add3A_233 = arith.constant 0 : i32
      %add3A_234 = arith.addi %mul3A_232, %add3A_233 : i32
      %swap3A_235 = arith.index_cast %add3A_234 : i32 to index
      %swap3A_236 = arith.constant 0 : index
      %swap3A_237 = tpu.vector_load %arg10[%swap3A_235, %swap3A_236] {strides = array<i32>} : memref<128x64xf32, #tpu.memory_space<vmem>>, vector<1x16xf32>,
      %swap3A_238 = vector.shape_cast %swap3A_237 : vector<1x16xf32> to vector<16xf32>
      %swap3A_239 = vector.shape_cast %scan3A_229#0 : vector<16xf32> to vector<1x16xf32>
      tpu.vector_store %arg10[%swap3A_235, %swap3A_236], %swap3A_239 {strides = array<i32>} : memref<128x64xf32, #tpu.memory_space<vmem>>, vector<1x16xf32>,
      %swap3A_240 = arith.index_cast %add3A_234 : i32 to index
      %swap3A_241 = arith.constant 16 : index
      %swap3A_242 = tpu.vector_load %arg10[%swap3A_240, %swap3A_241] {strides = array<i32>} : memref<128x64xf32, #tpu.memory_space<vmem>>, vector<1x16xf32>,
      %swap3A_243 = vector.shape_cast %swap3A_242 : vector<1x16xf32> to vector<16xf32>
      %swap3A_244 = vector.shape_cast %scan3A_229#1 : vector<16xf32> to vector<1x16xf32>
      tpu.vector_store %arg10[%swap3A_240, %swap3A_241], %swap3A_244 {strides = array<i32>} : memref<128x64xf32, #tpu.memory_space<vmem>>, vector<1x16xf32>,
      %swap3A_245 = arith.index_cast %add3A_234 : i32 to index
      %swap3A_246 = arith.constant 32 : index
      %swap3A_247 = tpu.vector_load %arg10[%swap3A_245, %swap3A_246] {strides = array<i32>} : memref<128x64xf32, #tpu.memory_space<vmem>>, vector<1x16xf32>,
      %swap3A_248 = vector.shape_cast %swap3A_247 : vector<1x16xf32> to vector<16xf32>
      %swap3A_249 = vector.shape_cast %scan3A_229#2 : vector<16xf32> to vector<1x16xf32>
      tpu.vector_store %arg10[%swap3A_245, %swap3A_246], %swap3A_249 {strides = array<i32>} : memref<128x64xf32, #tpu.memory_space<vmem>>, vector<1x16xf32>,
      %swap3A_250 = arith.index_cast %add3A_234 : i32 to index
      %swap3A_251 = arith.constant 48 : index
      %swap3A_252 = tpu.vector_load %arg10[%swap3A_250, %swap3A_251] {strides = array<i32>} : memref<128x64xf32, #tpu.memory_space<vmem>>, vector<1x16xf32>,
      %swap3A_253 = vector.shape_cast %swap3A_252 : vector<1x16xf32> to vector<16xf32>
      %swap3A_254 = vector.shape_cast %scan3A_229#3 : vector<16xf32> to vector<1x16xf32>
      tpu.vector_store %arg10[%swap3A_250, %swap3A_251], %swap3A_254 {strides = array<i32>} : memref<128x64xf32, #tpu.memory_space<vmem>>, vector<1x16xf32>,
      %broadcast_in_dim3A_255 = arith.constant 0.000000e+00 : f32
      %broadcast_in_dim3A_256 = vector.broadcast %broadcast_in_dim3A_255 : f32 to vector<16xf32>
      %broadcast_in_dim3A_257 = arith.constant 0.000000e+00 : f32
      %broadcast_in_dim3A_258 = vector.broadcast %broadcast_in_dim3A_257 : f32 to vector<16xf32>
      %broadcast_in_dim3A_259 = arith.constant 0.000000e+00 : f32
      %broadcast_in_dim3A_260 = vector.broadcast %broadcast_in_dim3A_259 : f32 to vector<16xf32>
      %broadcast_in_dim3A_261 = arith.constant 0.000000e+00 : f32
      %broadcast_in_dim3A_262 = vector.broadcast %broadcast_in_dim3A_261 : f32 to vector<16xf32>
      %scan3A_263 = arith.constant 0 : i32
      %scan3A_264 = arith.constant 50 : i32
      %scan3A_265 = arith.addi %scan3A_263, %scan3A_264 : i32
      %scan3A_266 = arith.constant 1 : i32
      %scan3A_267:4 = scf.for %scan3A_716 = %scan3A_263 to %scan3A_265 step %scan3A_266 iter_args(%scan3A_717 = %broadcast_in_dim3A_256, %scan3A_718 = %broadcast_in_dim3A_258, %scan3A_719 = %broadcast_in_dim3A_260, %scan3A_720 = %broadcast_in_dim3A_262) -> (vector<16xf32>, vector<16xf32>, vector<16xf32>, vector<16xf32>)  : i32 {
        %add3A_721 = arith.constant 50 : i32
        %add3A_722 = arith.addi %add3A_721, %scan3A_716 : i32
        %get3A = arith.index_cast %add3A_722 : i32 to index
        %get3A_723 = arith.constant 0 : index
        %get3A_724 = tpu.vector_load %arg13[%get3A, %get3A_723] {strides = array<i32>} : memref<200x64xf32, #tpu.memory_space<vmem>>, vector<1x16xf32>,
        %get3A_725 = vector.shape_cast %get3A_724 : vector<1x16xf32> to vector<16xf32>
        %add3A_726 = arith.addf %scan3A_717, %get3A_725 : vector<16xf32>
        %get3A_727 = arith.index_cast %add3A_722 : i32 to index
        %get3A_728 = arith.constant 16 : index
        %get3A_729 = tpu.vector_load %arg13[%get3A_727, %get3A_728] {strides = array<i32>} : memref<200x64xf32, #tpu.memory_space<vmem>>, vector<1x16xf32>,
        %get3A_730 = vector.shape_cast %get3A_729 : vector<1x16xf32> to vector<16xf32>
        %add3A_731 = arith.addf %scan3A_718, %get3A_730 : vector<16xf32>
        %get3A_732 = arith.index_cast %add3A_722 : i32 to index
        %get3A_733 = arith.constant 32 : index
        %get3A_734 = tpu.vector_load %arg13[%get3A_732, %get3A_733] {strides = array<i32>} : memref<200x64xf32, #tpu.memory_space<vmem>>, vector<1x16xf32>,
        %get3A_735 = vector.shape_cast %get3A_734 : vector<1x16xf32> to vector<16xf32>
        %add3A_736 = arith.addf %scan3A_719, %get3A_735 : vector<16xf32>
        %get3A_737 = arith.index_cast %add3A_722 : i32 to index
        %get3A_738 = arith.constant 48 : index
        %get3A_739 = tpu.vector_load %arg13[%get3A_737, %get3A_738] {strides = array<i32>} : memref<200x64xf32, #tpu.memory_space<vmem>>, vector<1x16xf32>,
        %get3A_740 = vector.shape_cast %get3A_739 : vector<1x16xf32> to vector<16xf32>
        %add3A_741 = arith.addf %scan3A_720, %get3A_740 : vector<16xf32>
        scf.yield %add3A_726, %add3A_731, %add3A_736, %add3A_741 : vector<16xf32>, vector<16xf32>, vector<16xf32>, vector<16xf32>
      }
      %scan3A_268 = arith.constant 50 : i32
      %mul3A_269 = arith.constant 4 : i32
      %mul3A_270 = arith.muli %add3A_209, %mul3A_269 : i32
      %add3A_271 = arith.constant 1 : i32
      %add3A_272 = arith.addi %mul3A_270, %add3A_271 : i32
      %swap3A_273 = arith.index_cast %add3A_272 : i32 to index
      %swap3A_274 = arith.constant 0 : index
      %swap3A_275 = tpu.vector_load %arg10[%swap3A_273, %swap3A_274] {strides = array<i32>} : memref<128x64xf32, #tpu.memory_space<vmem>>, vector<1x16xf32>,
      %swap3A_276 = vector.shape_cast %swap3A_275 : vector<1x16xf32> to vector<16xf32>
      %swap3A_277 = vector.shape_cast %scan3A_267#0 : vector<16xf32> to vector<1x16xf32>
      tpu.vector_store %arg10[%swap3A_273, %swap3A_274], %swap3A_277 {strides = array<i32>} : memref<128x64xf32, #tpu.memory_space<vmem>>, vector<1x16xf32>,
      %swap3A_278 = arith.index_cast %add3A_272 : i32 to index
      %swap3A_279 = arith.constant 16 : index
      %swap3A_280 = tpu.vector_load %arg10[%swap3A_278, %swap3A_279] {strides = array<i32>} : memref<128x64xf32, #tpu.memory_space<vmem>>, vector<1x16xf32>,
      %swap3A_281 = vector.shape_cast %swap3A_280 : vector<1x16xf32> to vector<16xf32>
      %swap3A_282 = vector.shape_cast %scan3A_267#1 : vector<16xf32> to vector<1x16xf32>
      tpu.vector_store %arg10[%swap3A_278, %swap3A_279], %swap3A_282 {strides = array<i32>} : memref<128x64xf32, #tpu.memory_space<vmem>>, vector<1x16xf32>,
      %swap3A_283 = arith.index_cast %add3A_272 : i32 to index
      %swap3A_284 = arith.constant 32 : index
      %swap3A_285 = tpu.vector_load %arg10[%swap3A_283, %swap3A_284] {strides = array<i32>} : memref<128x64xf32, #tpu.memory_space<vmem>>, vector<1x16xf32>,
      %swap3A_286 = vector.shape_cast %swap3A_285 : vector<1x16xf32> to vector<16xf32>
      %swap3A_287 = vector.shape_cast %scan3A_267#2 : vector<16xf32> to vector<1x16xf32>
      tpu.vector_store %arg10[%swap3A_283, %swap3A_284], %swap3A_287 {strides = array<i32>} : memref<128x64xf32, #tpu.memory_space<vmem>>, vector<1x16xf32>,
      %swap3A_288 = arith.index_cast %add3A_272 : i32 to index
      %swap3A_289 = arith.constant 48 : index
      %swap3A_290 = tpu.vector_load %arg10[%swap3A_288, %swap3A_289] {strides = array<i32>} : memref<128x64xf32, #tpu.memory_space<vmem>>, vector<1x16xf32>,
      %swap3A_291 = vector.shape_cast %swap3A_290 : vector<1x16xf32> to vector<16xf32>
      %swap3A_292 = vector.shape_cast %scan3A_267#3 : vector<16xf32> to vector<1x16xf32>
      tpu.vector_store %arg10[%swap3A_288, %swap3A_289], %swap3A_292 {strides = array<i32>} : memref<128x64xf32, #tpu.memory_space<vmem>>, vector<1x16xf32>,
      %broadcast_in_dim3A_293 = arith.constant 0.000000e+00 : f32
      %broadcast_in_dim3A_294 = vector.broadcast %broadcast_in_dim3A_293 : f32 to vector<16xf32>
      %broadcast_in_dim3A_295 = arith.constant 0.000000e+00 : f32
      %broadcast_in_dim3A_296 = vector.broadcast %broadcast_in_dim3A_295 : f32 to vector<16xf32>
      %broadcast_in_dim3A_297 = arith.constant 0.000000e+00 : f32
      %broadcast_in_dim3A_298 = vector.broadcast %broadcast_in_dim3A_297 : f32 to vector<16xf32>
      %broadcast_in_dim3A_299 = arith.constant 0.000000e+00 : f32
      %broadcast_in_dim3A_300 = vector.broadcast %broadcast_in_dim3A_299 : f32 to vector<16xf32>
      %scan3A_301 = arith.constant 0 : i32
      %scan3A_302 = arith.constant 50 : i32
      %scan3A_303 = arith.addi %scan3A_301, %scan3A_302 : i32
      %scan3A_304 = arith.constant 1 : i32
      %scan3A_305:4 = scf.for %scan3A_716 = %scan3A_301 to %scan3A_303 step %scan3A_304 iter_args(%scan3A_717 = %broadcast_in_dim3A_294, %scan3A_718 = %broadcast_in_dim3A_296, %scan3A_719 = %broadcast_in_dim3A_298, %scan3A_720 = %broadcast_in_dim3A_300) -> (vector<16xf32>, vector<16xf32>, vector<16xf32>, vector<16xf32>)  : i32 {
        %add3A_721 = arith.constant 100 : i32
        %add3A_722 = arith.addi %add3A_721, %scan3A_716 : i32
        %get3A = arith.index_cast %add3A_722 : i32 to index
        %get3A_723 = arith.constant 0 : index
        %get3A_724 = tpu.vector_load %arg13[%get3A, %get3A_723] {strides = array<i32>} : memref<200x64xf32, #tpu.memory_space<vmem>>, vector<1x16xf32>,
        %get3A_725 = vector.shape_cast %get3A_724 : vector<1x16xf32> to vector<16xf32>
        %add3A_726 = arith.addf %scan3A_717, %get3A_725 : vector<16xf32>
        %get3A_727 = arith.index_cast %add3A_722 : i32 to index
        %get3A_728 = arith.constant 16 : index
        %get3A_729 = tpu.vector_load %arg13[%get3A_727, %get3A_728] {strides = array<i32>} : memref<200x64xf32, #tpu.memory_space<vmem>>, vector<1x16xf32>,
        %get3A_730 = vector.shape_cast %get3A_729 : vector<1x16xf32> to vector<16xf32>
        %add3A_731 = arith.addf %scan3A_718, %get3A_730 : vector<16xf32>
        %get3A_732 = arith.index_cast %add3A_722 : i32 to index
        %get3A_733 = arith.constant 32 : index
        %get3A_734 = tpu.vector_load %arg13[%get3A_732, %get3A_733] {strides = array<i32>} : memref<200x64xf32, #tpu.memory_space<vmem>>, vector<1x16xf32>,
        %get3A_735 = vector.shape_cast %get3A_734 : vector<1x16xf32> to vector<16xf32>
        %add3A_736 = arith.addf %scan3A_719, %get3A_735 : vector<16xf32>
        %get3A_737 = arith.index_cast %add3A_722 : i32 to index
        %get3A_738 = arith.constant 48 : index
        %get3A_739 = tpu.vector_load %arg13[%get3A_737, %get3A_738] {strides = array<i32>} : memref<200x64xf32, #tpu.memory_space<vmem>>, vector<1x16xf32>,
        %get3A_740 = vector.shape_cast %get3A_739 : vector<1x16xf32> to vector<16xf32>
        %add3A_741 = arith.addf %scan3A_720, %get3A_740 : vector<16xf32>
        scf.yield %add3A_726, %add3A_731, %add3A_736, %add3A_741 : vector<16xf32>, vector<16xf32>, vector<16xf32>, vector<16xf32>
      }
      %scan3A_306 = arith.constant 50 : i32
      %mul3A_307 = arith.constant 4 : i32
      %mul3A_308 = arith.muli %add3A_209, %mul3A_307 : i32
      %add3A_309 = arith.constant 2 : i32
      %add3A_310 = arith.addi %mul3A_308, %add3A_309 : i32
      %swap3A_311 = arith.index_cast %add3A_310 : i32 to index
      %swap3A_312 = arith.constant 0 : index
      %swap3A_313 = tpu.vector_load %arg10[%swap3A_311, %swap3A_312] {strides = array<i32>} : memref<128x64xf32, #tpu.memory_space<vmem>>, vector<1x16xf32>,
      %swap3A_314 = vector.shape_cast %swap3A_313 : vector<1x16xf32> to vector<16xf32>
      %swap3A_315 = vector.shape_cast %scan3A_305#0 : vector<16xf32> to vector<1x16xf32>
      tpu.vector_store %arg10[%swap3A_311, %swap3A_312], %swap3A_315 {strides = array<i32>} : memref<128x64xf32, #tpu.memory_space<vmem>>, vector<1x16xf32>,
      %swap3A_316 = arith.index_cast %add3A_310 : i32 to index
      %swap3A_317 = arith.constant 16 : index
      %swap3A_318 = tpu.vector_load %arg10[%swap3A_316, %swap3A_317] {strides = array<i32>} : memref<128x64xf32, #tpu.memory_space<vmem>>, vector<1x16xf32>,
      %swap3A_319 = vector.shape_cast %swap3A_318 : vector<1x16xf32> to vector<16xf32>
      %swap3A_320 = vector.shape_cast %scan3A_305#1 : vector<16xf32> to vector<1x16xf32>
      tpu.vector_store %arg10[%swap3A_316, %swap3A_317], %swap3A_320 {strides = array<i32>} : memref<128x64xf32, #tpu.memory_space<vmem>>, vector<1x16xf32>,
      %swap3A_321 = arith.index_cast %add3A_310 : i32 to index
      %swap3A_322 = arith.constant 32 : index
      %swap3A_323 = tpu.vector_load %arg10[%swap3A_321, %swap3A_322] {strides = array<i32>} : memref<128x64xf32, #tpu.memory_space<vmem>>, vector<1x16xf32>,
      %swap3A_324 = vector.shape_cast %swap3A_323 : vector<1x16xf32> to vector<16xf32>
      %swap3A_325 = vector.shape_cast %scan3A_305#2 : vector<16xf32> to vector<1x16xf32>
      tpu.vector_store %arg10[%swap3A_321, %swap3A_322], %swap3A_325 {strides = array<i32>} : memref<128x64xf32, #tpu.memory_space<vmem>>, vector<1x16xf32>,
      %swap3A_326 = arith.index_cast %add3A_310 : i32 to index
      %swap3A_327 = arith.constant 48 : index
      %swap3A_328 = tpu.vector_load %arg10[%swap3A_326, %swap3A_327] {strides = array<i32>} : memref<128x64xf32, #tpu.memory_space<vmem>>, vector<1x16xf32>,
      %swap3A_329 = vector.shape_cast %swap3A_328 : vector<1x16xf32> to vector<16xf32>
      %swap3A_330 = vector.shape_cast %scan3A_305#3 : vector<16xf32> to vector<1x16xf32>
      tpu.vector_store %arg10[%swap3A_326, %swap3A_327], %swap3A_330 {strides = array<i32>} : memref<128x64xf32, #tpu.memory_space<vmem>>, vector<1x16xf32>,
      %broadcast_in_dim3A_331 = arith.constant 0.000000e+00 : f32
      %broadcast_in_dim3A_332 = vector.broadcast %broadcast_in_dim3A_331 : f32 to vector<16xf32>
      %broadcast_in_dim3A_333 = arith.constant 0.000000e+00 : f32
      %broadcast_in_dim3A_334 = vector.broadcast %broadcast_in_dim3A_333 : f32 to vector<16xf32>
      %broadcast_in_dim3A_335 = arith.constant 0.000000e+00 : f32
      %broadcast_in_dim3A_336 = vector.broadcast %broadcast_in_dim3A_335 : f32 to vector<16xf32>
      %broadcast_in_dim3A_337 = arith.constant 0.000000e+00 : f32
      %broadcast_in_dim3A_338 = vector.broadcast %broadcast_in_dim3A_337 : f32 to vector<16xf32>
      %scan3A_339 = arith.constant 0 : i32
      %scan3A_340 = arith.constant 50 : i32
      %scan3A_341 = arith.addi %scan3A_339, %scan3A_340 : i32
      %scan3A_342 = arith.constant 1 : i32
      %scan3A_343:4 = scf.for %scan3A_716 = %scan3A_339 to %scan3A_341 step %scan3A_342 iter_args(%scan3A_717 = %broadcast_in_dim3A_332, %scan3A_718 = %broadcast_in_dim3A_334, %scan3A_719 = %broadcast_in_dim3A_336, %scan3A_720 = %broadcast_in_dim3A_338) -> (vector<16xf32>, vector<16xf32>, vector<16xf32>, vector<16xf32>)  : i32 {
        %add3A_721 = arith.constant 150 : i32
        %add3A_722 = arith.addi %add3A_721, %scan3A_716 : i32
        %get3A = arith.index_cast %add3A_722 : i32 to index
        %get3A_723 = arith.constant 0 : index
        %get3A_724 = tpu.vector_load %arg13[%get3A, %get3A_723] {strides = array<i32>} : memref<200x64xf32, #tpu.memory_space<vmem>>, vector<1x16xf32>,
        %get3A_725 = vector.shape_cast %get3A_724 : vector<1x16xf32> to vector<16xf32>
        %add3A_726 = arith.addf %scan3A_717, %get3A_725 : vector<16xf32>
        %get3A_727 = arith.index_cast %add3A_722 : i32 to index
        %get3A_728 = arith.constant 16 : index
        %get3A_729 = tpu.vector_load %arg13[%get3A_727, %get3A_728] {strides = array<i32>} : memref<200x64xf32, #tpu.memory_space<vmem>>, vector<1x16xf32>,
        %get3A_730 = vector.shape_cast %get3A_729 : vector<1x16xf32> to vector<16xf32>
        %add3A_731 = arith.addf %scan3A_718, %get3A_730 : vector<16xf32>
        %get3A_732 = arith.index_cast %add3A_722 : i32 to index
        %get3A_733 = arith.constant 32 : index
        %get3A_734 = tpu.vector_load %arg13[%get3A_732, %get3A_733] {strides = array<i32>} : memref<200x64xf32, #tpu.memory_space<vmem>>, vector<1x16xf32>,
        %get3A_735 = vector.shape_cast %get3A_734 : vector<1x16xf32> to vector<16xf32>
        %add3A_736 = arith.addf %scan3A_719, %get3A_735 : vector<16xf32>
        %get3A_737 = arith.index_cast %add3A_722 : i32 to index
        %get3A_738 = arith.constant 48 : index
        %get3A_739 = tpu.vector_load %arg13[%get3A_737, %get3A_738] {strides = array<i32>} : memref<200x64xf32, #tpu.memory_space<vmem>>, vector<1x16xf32>,
        %get3A_740 = vector.shape_cast %get3A_739 : vector<1x16xf32> to vector<16xf32>
        %add3A_741 = arith.addf %scan3A_720, %get3A_740 : vector<16xf32>
        scf.yield %add3A_726, %add3A_731, %add3A_736, %add3A_741 : vector<16xf32>, vector<16xf32>, vector<16xf32>, vector<16xf32>
      }
      %scan3A_344 = arith.constant 50 : i32
      %mul3A_345 = arith.constant 4 : i32
      %mul3A_346 = arith.muli %add3A_209, %mul3A_345 : i32
      %add3A_347 = arith.constant 3 : i32
      %add3A_348 = arith.addi %mul3A_346, %add3A_347 : i32
      %swap3A_349 = arith.index_cast %add3A_348 : i32 to index
      %swap3A_350 = arith.constant 0 : index
      %swap3A_351 = tpu.vector_load %arg10[%swap3A_349, %swap3A_350] {strides = array<i32>} : memref<128x64xf32, #tpu.memory_space<vmem>>, vector<1x16xf32>,
      %swap3A_352 = vector.shape_cast %swap3A_351 : vector<1x16xf32> to vector<16xf32>
      %swap3A_353 = vector.shape_cast %scan3A_343#0 : vector<16xf32> to vector<1x16xf32>
      tpu.vector_store %arg10[%swap3A_349, %swap3A_350], %swap3A_353 {strides = array<i32>} : memref<128x64xf32, #tpu.memory_space<vmem>>, vector<1x16xf32>,
      %swap3A_354 = arith.index_cast %add3A_348 : i32 to index
      %swap3A_355 = arith.constant 16 : index
      %swap3A_356 = tpu.vector_load %arg10[%swap3A_354, %swap3A_355] {strides = array<i32>} : memref<128x64xf32, #tpu.memory_space<vmem>>, vector<1x16xf32>,
      %swap3A_357 = vector.shape_cast %swap3A_356 : vector<1x16xf32> to vector<16xf32>
      %swap3A_358 = vector.shape_cast %scan3A_343#1 : vector<16xf32> to vector<1x16xf32>
      tpu.vector_store %arg10[%swap3A_354, %swap3A_355], %swap3A_358 {strides = array<i32>} : memref<128x64xf32, #tpu.memory_space<vmem>>, vector<1x16xf32>,
      %swap3A_359 = arith.index_cast %add3A_348 : i32 to index
      %swap3A_360 = arith.constant 32 : index
      %swap3A_361 = tpu.vector_load %arg10[%swap3A_359, %swap3A_360] {strides = array<i32>} : memref<128x64xf32, #tpu.memory_space<vmem>>, vector<1x16xf32>,
      %swap3A_362 = vector.shape_cast %swap3A_361 : vector<1x16xf32> to vector<16xf32>
      %swap3A_363 = vector.shape_cast %scan3A_343#2 : vector<16xf32> to vector<1x16xf32>
      tpu.vector_store %arg10[%swap3A_359, %swap3A_360], %swap3A_363 {strides = array<i32>} : memref<128x64xf32, #tpu.memory_space<vmem>>, vector<1x16xf32>,
      %swap3A_364 = arith.index_cast %add3A_348 : i32 to index
      %swap3A_365 = arith.constant 48 : index
      %swap3A_366 = tpu.vector_load %arg10[%swap3A_364, %swap3A_365] {strides = array<i32>} : memref<128x64xf32, #tpu.memory_space<vmem>>, vector<1x16xf32>,
      %swap3A_367 = vector.shape_cast %swap3A_366 : vector<1x16xf32> to vector<16xf32>
      %swap3A_368 = vector.shape_cast %scan3A_343#3 : vector<16xf32> to vector<1x16xf32>
      tpu.vector_store %arg10[%swap3A_364, %swap3A_365], %swap3A_368 {strides = array<i32>} : memref<128x64xf32, #tpu.memory_space<vmem>>, vector<1x16xf32>,
      %add3A_369 = arith.constant 4 : i32
      %add3A_370 = arith.addi %add3A_209, %add3A_369 : i32
      %lt3A_371 = arith.constant 32 : i32
      %lt3A_372 = arith.cmpi slt, %add3A_370, %lt3A_371 : i32
      %convert_element_type3A_373 = arith.extui %lt3A_372 : i1 to i32
      %cond3A_374 = arith.constant 0 : i32
      %cond3A_375 = arith.cmpi ne, %convert_element_type3A_373, %cond3A_374 : i32
      scf.if %cond3A_375 {
        %add3A_716 = arith.constant 4 : i32
        %add3A_717 = arith.addi %add3A_209, %add3A_716 : i32
        %dma_start3A_718 = arith.constant 0 : i32
        %dma_start3A_719 = tpu.memref_slice %arg9[%add3A_717, %dma_start3A_718] : memref<32x200xi32, #tpu.memory_space<vmem>> -> memref<1x200xi32, #tpu.memory_space<vmem>>
        %dma_start3A_720 = tpu.memref_squeeze %dma_start3A_719 : memref<1x200xi32, #tpu.memory_space<vmem>> -> memref<200xi32, #tpu.memory_space<vmem>>
        %dma_start3A_721 = arith.constant 0 : i32
        %dma_start3A_722 = arith.constant 0 : i32
        %dma_start3A_723 = tpu.memref_slice %arg4[%dma_start3A_721, %dma_start3A_722] : memref<1000000x64xf32, #tpu.memory_space<hbm>> -> memref<1000000x64xf32, #tpu.memory_space<hbm>>
        tpu.enqueue_indirect_dma source(%dma_start3A_723 : memref<1000000x64xf32, #tpu.memory_space<hbm>>) target(%arg13 : memref<200x64xf32, #tpu.memory_space<vmem>>) offsets(%dma_start3A_720 : memref<200xi32, #tpu.memory_space<vmem>>) semaphore(%arg17 : memref<!tpu.dma_semaphore, #tpu.memory_space<semaphore_mem>>)
      } else {
      }
      %mul3A_376 = arith.constant 4 : i32
      %mul3A_377 = arith.muli %scan3A_40, %mul3A_376 : i32
      %add3A_378 = arith.constant 2 : i32
      %add3A_379 = arith.addi %mul3A_377, %add3A_378 : i32
      %dma_wait3A_380 = arith.constant 0 : i32
      %dma_wait3A_381 = arith.constant 0 : i32
      %dma_wait3A_382 = tpu.memref_slice %arg9[%dma_wait3A_380, %dma_wait3A_381] : memref<32x200xi32, #tpu.memory_space<vmem>> -> memref<1x200xi32, #tpu.memory_space<vmem>>
      %dma_wait3A_383 = tpu.memref_squeeze %dma_wait3A_382 : memref<1x200xi32, #tpu.memory_space<vmem>> -> memref<200xi32, #tpu.memory_space<vmem>>
      %dma_wait3A_384 = arith.constant 0 : i32
      %dma_wait3A_385 = arith.constant 0 : i32
      %dma_wait3A_386 = tpu.memref_slice %arg4[%dma_wait3A_384, %dma_wait3A_385] : memref<1000000x64xf32, #tpu.memory_space<hbm>> -> memref<1000000x64xf32, #tpu.memory_space<hbm>>
      tpu.wait_indirect_dma semaphore(%arg18 : memref<!tpu.dma_semaphore, #tpu.memory_space<semaphore_mem>>) src(%dma_wait3A_386 : memref<1000000x64xf32, #tpu.memory_space<hbm>>) dst(%arg14 : memref<200x64xf32, #tpu.memory_space<vmem>>)
      %broadcast_in_dim3A_387 = arith.constant 0.000000e+00 : f32
      %broadcast_in_dim3A_388 = vector.broadcast %broadcast_in_dim3A_387 : f32 to vector<16xf32>
      %broadcast_in_dim3A_389 = arith.constant 0.000000e+00 : f32
      %broadcast_in_dim3A_390 = vector.broadcast %broadcast_in_dim3A_389 : f32 to vector<16xf32>
      %broadcast_in_dim3A_391 = arith.constant 0.000000e+00 : f32
      %broadcast_in_dim3A_392 = vector.broadcast %broadcast_in_dim3A_391 : f32 to vector<16xf32>
      %broadcast_in_dim3A_393 = arith.constant 0.000000e+00 : f32
      %broadcast_in_dim3A_394 = vector.broadcast %broadcast_in_dim3A_393 : f32 to vector<16xf32>
      %scan3A_395 = arith.constant 0 : i32
      %scan3A_396 = arith.constant 50 : i32
      %scan3A_397 = arith.addi %scan3A_395, %scan3A_396 : i32
      %scan3A_398 = arith.constant 1 : i32
      %scan3A_399:4 = scf.for %scan3A_716 = %scan3A_395 to %scan3A_397 step %scan3A_398 iter_args(%scan3A_717 = %broadcast_in_dim3A_388, %scan3A_718 = %broadcast_in_dim3A_390, %scan3A_719 = %broadcast_in_dim3A_392, %scan3A_720 = %broadcast_in_dim3A_394) -> (vector<16xf32>, vector<16xf32>, vector<16xf32>, vector<16xf32>)  : i32 {
        %add3A_721 = arith.constant 0 : i32
        %add3A_722 = arith.addi %add3A_721, %scan3A_716 : i32
        %get3A = arith.index_cast %add3A_722 : i32 to index
        %get3A_723 = arith.constant 0 : index
        %get3A_724 = tpu.vector_load %arg14[%get3A, %get3A_723] {strides = array<i32>} : memref<200x64xf32, #tpu.memory_space<vmem>>, vector<1x16xf32>,
        %get3A_725 = vector.shape_cast %get3A_724 : vector<1x16xf32> to vector<16xf32>
        %add3A_726 = arith.addf %scan3A_717, %get3A_725 : vector<16xf32>
        %get3A_727 = arith.index_cast %add3A_722 : i32 to index
        %get3A_728 = arith.constant 16 : index
        %get3A_729 = tpu.vector_load %arg14[%get3A_727, %get3A_728] {strides = array<i32>} : memref<200x64xf32, #tpu.memory_space<vmem>>, vector<1x16xf32>,
        %get3A_730 = vector.shape_cast %get3A_729 : vector<1x16xf32> to vector<16xf32>
        %add3A_731 = arith.addf %scan3A_718, %get3A_730 : vector<16xf32>
        %get3A_732 = arith.index_cast %add3A_722 : i32 to index
        %get3A_733 = arith.constant 32 : index
        %get3A_734 = tpu.vector_load %arg14[%get3A_732, %get3A_733] {strides = array<i32>} : memref<200x64xf32, #tpu.memory_space<vmem>>, vector<1x16xf32>,
        %get3A_735 = vector.shape_cast %get3A_734 : vector<1x16xf32> to vector<16xf32>
        %add3A_736 = arith.addf %scan3A_719, %get3A_735 : vector<16xf32>
        %get3A_737 = arith.index_cast %add3A_722 : i32 to index
        %get3A_738 = arith.constant 48 : index
        %get3A_739 = tpu.vector_load %arg14[%get3A_737, %get3A_738] {strides = array<i32>} : memref<200x64xf32, #tpu.memory_space<vmem>>, vector<1x16xf32>,
        %get3A_740 = vector.shape_cast %get3A_739 : vector<1x16xf32> to vector<16xf32>
        %add3A_741 = arith.addf %scan3A_720, %get3A_740 : vector<16xf32>
        scf.yield %add3A_726, %add3A_731, %add3A_736, %add3A_741 : vector<16xf32>, vector<16xf32>, vector<16xf32>, vector<16xf32>
      }
      %scan3A_400 = arith.constant 50 : i32
      %mul3A_401 = arith.constant 4 : i32
      %mul3A_402 = arith.muli %add3A_379, %mul3A_401 : i32
      %add3A_403 = arith.constant 0 : i32
      %add3A_404 = arith.addi %mul3A_402, %add3A_403 : i32
      %swap3A_405 = arith.index_cast %add3A_404 : i32 to index
      %swap3A_406 = arith.constant 0 : index
      %swap3A_407 = tpu.vector_load %arg10[%swap3A_405, %swap3A_406] {strides = array<i32>} : memref<128x64xf32, #tpu.memory_space<vmem>>, vector<1x16xf32>,
      %swap3A_408 = vector.shape_cast %swap3A_407 : vector<1x16xf32> to vector<16xf32>
      %swap3A_409 = vector.shape_cast %scan3A_399#0 : vector<16xf32> to vector<1x16xf32>
      tpu.vector_store %arg10[%swap3A_405, %swap3A_406], %swap3A_409 {strides = array<i32>} : memref<128x64xf32, #tpu.memory_space<vmem>>, vector<1x16xf32>,
      %swap3A_410 = arith.index_cast %add3A_404 : i32 to index
      %swap3A_411 = arith.constant 16 : index
      %swap3A_412 = tpu.vector_load %arg10[%swap3A_410, %swap3A_411] {strides = array<i32>} : memref<128x64xf32, #tpu.memory_space<vmem>>, vector<1x16xf32>,
      %swap3A_413 = vector.shape_cast %swap3A_412 : vector<1x16xf32> to vector<16xf32>
      %swap3A_414 = vector.shape_cast %scan3A_399#1 : vector<16xf32> to vector<1x16xf32>
      tpu.vector_store %arg10[%swap3A_410, %swap3A_411], %swap3A_414 {strides = array<i32>} : memref<128x64xf32, #tpu.memory_space<vmem>>, vector<1x16xf32>,
      %swap3A_415 = arith.index_cast %add3A_404 : i32 to index
      %swap3A_416 = arith.constant 32 : index
      %swap3A_417 = tpu.vector_load %arg10[%swap3A_415, %swap3A_416] {strides = array<i32>} : memref<128x64xf32, #tpu.memory_space<vmem>>, vector<1x16xf32>,
      %swap3A_418 = vector.shape_cast %swap3A_417 : vector<1x16xf32> to vector<16xf32>
      %swap3A_419 = vector.shape_cast %scan3A_399#2 : vector<16xf32> to vector<1x16xf32>
      tpu.vector_store %arg10[%swap3A_415, %swap3A_416], %swap3A_419 {strides = array<i32>} : memref<128x64xf32, #tpu.memory_space<vmem>>, vector<1x16xf32>,
      %swap3A_420 = arith.index_cast %add3A_404 : i32 to index
      %swap3A_421 = arith.constant 48 : index
      %swap3A_422 = tpu.vector_load %arg10[%swap3A_420, %swap3A_421] {strides = array<i32>} : memref<128x64xf32, #tpu.memory_space<vmem>>, vector<1x16xf32>,
      %swap3A_423 = vector.shape_cast %swap3A_422 : vector<1x16xf32> to vector<16xf32>
      %swap3A_424 = vector.shape_cast %scan3A_399#3 : vector<16xf32> to vector<1x16xf32>
      tpu.vector_store %arg10[%swap3A_420, %swap3A_421], %swap3A_424 {strides = array<i32>} : memref<128x64xf32, #tpu.memory_space<vmem>>, vector<1x16xf32>,
      %broadcast_in_dim3A_425 = arith.constant 0.000000e+00 : f32
      %broadcast_in_dim3A_426 = vector.broadcast %broadcast_in_dim3A_425 : f32 to vector<16xf32>
      %broadcast_in_dim3A_427 = arith.constant 0.000000e+00 : f32
      %broadcast_in_dim3A_428 = vector.broadcast %broadcast_in_dim3A_427 : f32 to vector<16xf32>
      %broadcast_in_dim3A_429 = arith.constant 0.000000e+00 : f32
      %broadcast_in_dim3A_430 = vector.broadcast %broadcast_in_dim3A_429 : f32 to vector<16xf32>
      %broadcast_in_dim3A_431 = arith.constant 0.000000e+00 : f32
      %broadcast_in_dim3A_432 = vector.broadcast %broadcast_in_dim3A_431 : f32 to vector<16xf32>
      %scan3A_433 = arith.constant 0 : i32
      %scan3A_434 = arith.constant 50 : i32
      %scan3A_435 = arith.addi %scan3A_433, %scan3A_434 : i32
      %scan3A_436 = arith.constant 1 : i32
      %scan3A_437:4 = scf.for %scan3A_716 = %scan3A_433 to %scan3A_435 step %scan3A_436 iter_args(%scan3A_717 = %broadcast_in_dim3A_426, %scan3A_718 = %broadcast_in_dim3A_428, %scan3A_719 = %broadcast_in_dim3A_430, %scan3A_720 = %broadcast_in_dim3A_432) -> (vector<16xf32>, vector<16xf32>, vector<16xf32>, vector<16xf32>)  : i32 {
        %add3A_721 = arith.constant 50 : i32
        %add3A_722 = arith.addi %add3A_721, %scan3A_716 : i32
        %get3A = arith.index_cast %add3A_722 : i32 to index
        %get3A_723 = arith.constant 0 : index
        %get3A_724 = tpu.vector_load %arg14[%get3A, %get3A_723] {strides = array<i32>} : memref<200x64xf32, #tpu.memory_space<vmem>>, vector<1x16xf32>,
        %get3A_725 = vector.shape_cast %get3A_724 : vector<1x16xf32> to vector<16xf32>
        %add3A_726 = arith.addf %scan3A_717, %get3A_725 : vector<16xf32>
        %get3A_727 = arith.index_cast %add3A_722 : i32 to index
        %get3A_728 = arith.constant 16 : index
        %get3A_729 = tpu.vector_load %arg14[%get3A_727, %get3A_728] {strides = array<i32>} : memref<200x64xf32, #tpu.memory_space<vmem>>, vector<1x16xf32>,
        %get3A_730 = vector.shape_cast %get3A_729 : vector<1x16xf32> to vector<16xf32>
        %add3A_731 = arith.addf %scan3A_718, %get3A_730 : vector<16xf32>
        %get3A_732 = arith.index_cast %add3A_722 : i32 to index
        %get3A_733 = arith.constant 32 : index
        %get3A_734 = tpu.vector_load %arg14[%get3A_732, %get3A_733] {strides = array<i32>} : memref<200x64xf32, #tpu.memory_space<vmem>>, vector<1x16xf32>,
        %get3A_735 = vector.shape_cast %get3A_734 : vector<1x16xf32> to vector<16xf32>
        %add3A_736 = arith.addf %scan3A_719, %get3A_735 : vector<16xf32>
        %get3A_737 = arith.index_cast %add3A_722 : i32 to index
        %get3A_738 = arith.constant 48 : index
        %get3A_739 = tpu.vector_load %arg14[%get3A_737, %get3A_738] {strides = array<i32>} : memref<200x64xf32, #tpu.memory_space<vmem>>, vector<1x16xf32>,
        %get3A_740 = vector.shape_cast %get3A_739 : vector<1x16xf32> to vector<16xf32>
        %add3A_741 = arith.addf %scan3A_720, %get3A_740 : vector<16xf32>
        scf.yield %add3A_726, %add3A_731, %add3A_736, %add3A_741 : vector<16xf32>, vector<16xf32>, vector<16xf32>, vector<16xf32>
      }
      %scan3A_438 = arith.constant 50 : i32
      %mul3A_439 = arith.constant 4 : i32
      %mul3A_440 = arith.muli %add3A_379, %mul3A_439 : i32
      %add3A_441 = arith.constant 1 : i32
      %add3A_442 = arith.addi %mul3A_440, %add3A_441 : i32
      %swap3A_443 = arith.index_cast %add3A_442 : i32 to index
      %swap3A_444 = arith.constant 0 : index
      %swap3A_445 = tpu.vector_load %arg10[%swap3A_443, %swap3A_444] {strides = array<i32>} : memref<128x64xf32, #tpu.memory_space<vmem>>, vector<1x16xf32>,
      %swap3A_446 = vector.shape_cast %swap3A_445 : vector<1x16xf32> to vector<16xf32>
      %swap3A_447 = vector.shape_cast %scan3A_437#0 : vector<16xf32> to vector<1x16xf32>
      tpu.vector_store %arg10[%swap3A_443, %swap3A_444], %swap3A_447 {strides = array<i32>} : memref<128x64xf32, #tpu.memory_space<vmem>>, vector<1x16xf32>,
      %swap3A_448 = arith.index_cast %add3A_442 : i32 to index
      %swap3A_449 = arith.constant 16 : index
      %swap3A_450 = tpu.vector_load %arg10[%swap3A_448, %swap3A_449] {strides = array<i32>} : memref<128x64xf32, #tpu.memory_space<vmem>>, vector<1x16xf32>,
      %swap3A_451 = vector.shape_cast %swap3A_450 : vector<1x16xf32> to vector<16xf32>
      %swap3A_452 = vector.shape_cast %scan3A_437#1 : vector<16xf32> to vector<1x16xf32>
      tpu.vector_store %arg10[%swap3A_448, %swap3A_449], %swap3A_452 {strides = array<i32>} : memref<128x64xf32, #tpu.memory_space<vmem>>, vector<1x16xf32>,
      %swap3A_453 = arith.index_cast %add3A_442 : i32 to index
      %swap3A_454 = arith.constant 32 : index
      %swap3A_455 = tpu.vector_load %arg10[%swap3A_453, %swap3A_454] {strides = array<i32>} : memref<128x64xf32, #tpu.memory_space<vmem>>, vector<1x16xf32>,
      %swap3A_456 = vector.shape_cast %swap3A_455 : vector<1x16xf32> to vector<16xf32>
      %swap3A_457 = vector.shape_cast %scan3A_437#2 : vector<16xf32> to vector<1x16xf32>
      tpu.vector_store %arg10[%swap3A_453, %swap3A_454], %swap3A_457 {strides = array<i32>} : memref<128x64xf32, #tpu.memory_space<vmem>>, vector<1x16xf32>,
      %swap3A_458 = arith.index_cast %add3A_442 : i32 to index
      %swap3A_459 = arith.constant 48 : index
      %swap3A_460 = tpu.vector_load %arg10[%swap3A_458, %swap3A_459] {strides = array<i32>} : memref<128x64xf32, #tpu.memory_space<vmem>>, vector<1x16xf32>,
      %swap3A_461 = vector.shape_cast %swap3A_460 : vector<1x16xf32> to vector<16xf32>
      %swap3A_462 = vector.shape_cast %scan3A_437#3 : vector<16xf32> to vector<1x16xf32>
      tpu.vector_store %arg10[%swap3A_458, %swap3A_459], %swap3A_462 {strides = array<i32>} : memref<128x64xf32, #tpu.memory_space<vmem>>, vector<1x16xf32>,
      %broadcast_in_dim3A_463 = arith.constant 0.000000e+00 : f32
      %broadcast_in_dim3A_464 = vector.broadcast %broadcast_in_dim3A_463 : f32 to vector<16xf32>
      %broadcast_in_dim3A_465 = arith.constant 0.000000e+00 : f32
      %broadcast_in_dim3A_466 = vector.broadcast %broadcast_in_dim3A_465 : f32 to vector<16xf32>
      %broadcast_in_dim3A_467 = arith.constant 0.000000e+00 : f32
      %broadcast_in_dim3A_468 = vector.broadcast %broadcast_in_dim3A_467 : f32 to vector<16xf32>
      %broadcast_in_dim3A_469 = arith.constant 0.000000e+00 : f32
      %broadcast_in_dim3A_470 = vector.broadcast %broadcast_in_dim3A_469 : f32 to vector<16xf32>
      %scan3A_471 = arith.constant 0 : i32
      %scan3A_472 = arith.constant 50 : i32
      %scan3A_473 = arith.addi %scan3A_471, %scan3A_472 : i32
      %scan3A_474 = arith.constant 1 : i32
      %scan3A_475:4 = scf.for %scan3A_716 = %scan3A_471 to %scan3A_473 step %scan3A_474 iter_args(%scan3A_717 = %broadcast_in_dim3A_464, %scan3A_718 = %broadcast_in_dim3A_466, %scan3A_719 = %broadcast_in_dim3A_468, %scan3A_720 = %broadcast_in_dim3A_470) -> (vector<16xf32>, vector<16xf32>, vector<16xf32>, vector<16xf32>)  : i32 {
        %add3A_721 = arith.constant 100 : i32
        %add3A_722 = arith.addi %add3A_721, %scan3A_716 : i32
        %get3A = arith.index_cast %add3A_722 : i32 to index
        %get3A_723 = arith.constant 0 : index
        %get3A_724 = tpu.vector_load %arg14[%get3A, %get3A_723] {strides = array<i32>} : memref<200x64xf32, #tpu.memory_space<vmem>>, vector<1x16xf32>,
        %get3A_725 = vector.shape_cast %get3A_724 : vector<1x16xf32> to vector<16xf32>
        %add3A_726 = arith.addf %scan3A_717, %get3A_725 : vector<16xf32>
        %get3A_727 = arith.index_cast %add3A_722 : i32 to index
        %get3A_728 = arith.constant 16 : index
        %get3A_729 = tpu.vector_load %arg14[%get3A_727, %get3A_728] {strides = array<i32>} : memref<200x64xf32, #tpu.memory_space<vmem>>, vector<1x16xf32>,
        %get3A_730 = vector.shape_cast %get3A_729 : vector<1x16xf32> to vector<16xf32>
        %add3A_731 = arith.addf %scan3A_718, %get3A_730 : vector<16xf32>
        %get3A_732 = arith.index_cast %add3A_722 : i32 to index
        %get3A_733 = arith.constant 32 : index
        %get3A_734 = tpu.vector_load %arg14[%get3A_732, %get3A_733] {strides = array<i32>} : memref<200x64xf32, #tpu.memory_space<vmem>>, vector<1x16xf32>,
        %get3A_735 = vector.shape_cast %get3A_734 : vector<1x16xf32> to vector<16xf32>
        %add3A_736 = arith.addf %scan3A_719, %get3A_735 : vector<16xf32>
        %get3A_737 = arith.index_cast %add3A_722 : i32 to index
        %get3A_738 = arith.constant 48 : index
        %get3A_739 = tpu.vector_load %arg14[%get3A_737, %get3A_738] {strides = array<i32>} : memref<200x64xf32, #tpu.memory_space<vmem>>, vector<1x16xf32>,
        %get3A_740 = vector.shape_cast %get3A_739 : vector<1x16xf32> to vector<16xf32>
        %add3A_741 = arith.addf %scan3A_720, %get3A_740 : vector<16xf32>
        scf.yield %add3A_726, %add3A_731, %add3A_736, %add3A_741 : vector<16xf32>, vector<16xf32>, vector<16xf32>, vector<16xf32>
      }
      %scan3A_476 = arith.constant 50 : i32
      %mul3A_477 = arith.constant 4 : i32
      %mul3A_478 = arith.muli %add3A_379, %mul3A_477 : i32
      %add3A_479 = arith.constant 2 : i32
      %add3A_480 = arith.addi %mul3A_478, %add3A_479 : i32
      %swap3A_481 = arith.index_cast %add3A_480 : i32 to index
      %swap3A_482 = arith.constant 0 : index
      %swap3A_483 = tpu.vector_load %arg10[%swap3A_481, %swap3A_482] {strides = array<i32>} : memref<128x64xf32, #tpu.memory_space<vmem>>, vector<1x16xf32>,
      %swap3A_484 = vector.shape_cast %swap3A_483 : vector<1x16xf32> to vector<16xf32>
      %swap3A_485 = vector.shape_cast %scan3A_475#0 : vector<16xf32> to vector<1x16xf32>
      tpu.vector_store %arg10[%swap3A_481, %swap3A_482], %swap3A_485 {strides = array<i32>} : memref<128x64xf32, #tpu.memory_space<vmem>>, vector<1x16xf32>,
      %swap3A_486 = arith.index_cast %add3A_480 : i32 to index
      %swap3A_487 = arith.constant 16 : index
      %swap3A_488 = tpu.vector_load %arg10[%swap3A_486, %swap3A_487] {strides = array<i32>} : memref<128x64xf32, #tpu.memory_space<vmem>>, vector<1x16xf32>,
      %swap3A_489 = vector.shape_cast %swap3A_488 : vector<1x16xf32> to vector<16xf32>
      %swap3A_490 = vector.shape_cast %scan3A_475#1 : vector<16xf32> to vector<1x16xf32>
      tpu.vector_store %arg10[%swap3A_486, %swap3A_487], %swap3A_490 {strides = array<i32>} : memref<128x64xf32, #tpu.memory_space<vmem>>, vector<1x16xf32>,
      %swap3A_491 = arith.index_cast %add3A_480 : i32 to index
      %swap3A_492 = arith.constant 32 : index
      %swap3A_493 = tpu.vector_load %arg10[%swap3A_491, %swap3A_492] {strides = array<i32>} : memref<128x64xf32, #tpu.memory_space<vmem>>, vector<1x16xf32>,
      %swap3A_494 = vector.shape_cast %swap3A_493 : vector<1x16xf32> to vector<16xf32>
      %swap3A_495 = vector.shape_cast %scan3A_475#2 : vector<16xf32> to vector<1x16xf32>
      tpu.vector_store %arg10[%swap3A_491, %swap3A_492], %swap3A_495 {strides = array<i32>} : memref<128x64xf32, #tpu.memory_space<vmem>>, vector<1x16xf32>,
      %swap3A_496 = arith.index_cast %add3A_480 : i32 to index
      %swap3A_497 = arith.constant 48 : index
      %swap3A_498 = tpu.vector_load %arg10[%swap3A_496, %swap3A_497] {strides = array<i32>} : memref<128x64xf32, #tpu.memory_space<vmem>>, vector<1x16xf32>,
      %swap3A_499 = vector.shape_cast %swap3A_498 : vector<1x16xf32> to vector<16xf32>
      %swap3A_500 = vector.shape_cast %scan3A_475#3 : vector<16xf32> to vector<1x16xf32>
      tpu.vector_store %arg10[%swap3A_496, %swap3A_497], %swap3A_500 {strides = array<i32>} : memref<128x64xf32, #tpu.memory_space<vmem>>, vector<1x16xf32>,
      %broadcast_in_dim3A_501 = arith.constant 0.000000e+00 : f32
      %broadcast_in_dim3A_502 = vector.broadcast %broadcast_in_dim3A_501 : f32 to vector<16xf32>
      %broadcast_in_dim3A_503 = arith.constant 0.000000e+00 : f32
      %broadcast_in_dim3A_504 = vector.broadcast %broadcast_in_dim3A_503 : f32 to vector<16xf32>
      %broadcast_in_dim3A_505 = arith.constant 0.000000e+00 : f32
      %broadcast_in_dim3A_506 = vector.broadcast %broadcast_in_dim3A_505 : f32 to vector<16xf32>
      %broadcast_in_dim3A_507 = arith.constant 0.000000e+00 : f32
      %broadcast_in_dim3A_508 = vector.broadcast %broadcast_in_dim3A_507 : f32 to vector<16xf32>
      %scan3A_509 = arith.constant 0 : i32
      %scan3A_510 = arith.constant 50 : i32
      %scan3A_511 = arith.addi %scan3A_509, %scan3A_510 : i32
      %scan3A_512 = arith.constant 1 : i32
      %scan3A_513:4 = scf.for %scan3A_716 = %scan3A_509 to %scan3A_511 step %scan3A_512 iter_args(%scan3A_717 = %broadcast_in_dim3A_502, %scan3A_718 = %broadcast_in_dim3A_504, %scan3A_719 = %broadcast_in_dim3A_506, %scan3A_720 = %broadcast_in_dim3A_508) -> (vector<16xf32>, vector<16xf32>, vector<16xf32>, vector<16xf32>)  : i32 {
        %add3A_721 = arith.constant 150 : i32
        %add3A_722 = arith.addi %add3A_721, %scan3A_716 : i32
        %get3A = arith.index_cast %add3A_722 : i32 to index
        %get3A_723 = arith.constant 0 : index
        %get3A_724 = tpu.vector_load %arg14[%get3A, %get3A_723] {strides = array<i32>} : memref<200x64xf32, #tpu.memory_space<vmem>>, vector<1x16xf32>,
        %get3A_725 = vector.shape_cast %get3A_724 : vector<1x16xf32> to vector<16xf32>
        %add3A_726 = arith.addf %scan3A_717, %get3A_725 : vector<16xf32>
        %get3A_727 = arith.index_cast %add3A_722 : i32 to index
        %get3A_728 = arith.constant 16 : index
        %get3A_729 = tpu.vector_load %arg14[%get3A_727, %get3A_728] {strides = array<i32>} : memref<200x64xf32, #tpu.memory_space<vmem>>, vector<1x16xf32>,
        %get3A_730 = vector.shape_cast %get3A_729 : vector<1x16xf32> to vector<16xf32>
        %add3A_731 = arith.addf %scan3A_718, %get3A_730 : vector<16xf32>
        %get3A_732 = arith.index_cast %add3A_722 : i32 to index
        %get3A_733 = arith.constant 32 : index
        %get3A_734 = tpu.vector_load %arg14[%get3A_732, %get3A_733] {strides = array<i32>} : memref<200x64xf32, #tpu.memory_space<vmem>>, vector<1x16xf32>,
        %get3A_735 = vector.shape_cast %get3A_734 : vector<1x16xf32> to vector<16xf32>
        %add3A_736 = arith.addf %scan3A_719, %get3A_735 : vector<16xf32>
        %get3A_737 = arith.index_cast %add3A_722 : i32 to index
        %get3A_738 = arith.constant 48 : index
        %get3A_739 = tpu.vector_load %arg14[%get3A_737, %get3A_738] {strides = array<i32>} : memref<200x64xf32, #tpu.memory_space<vmem>>, vector<1x16xf32>,
        %get3A_740 = vector.shape_cast %get3A_739 : vector<1x16xf32> to vector<16xf32>
        %add3A_741 = arith.addf %scan3A_720, %get3A_740 : vector<16xf32>
        scf.yield %add3A_726, %add3A_731, %add3A_736, %add3A_741 : vector<16xf32>, vector<16xf32>, vector<16xf32>, vector<16xf32>
      }
      %scan3A_514 = arith.constant 50 : i32
      %mul3A_515 = arith.constant 4 : i32
      %mul3A_516 = arith.muli %add3A_379, %mul3A_515 : i32
      %add3A_517 = arith.constant 3 : i32
      %add3A_518 = arith.addi %mul3A_516, %add3A_517 : i32
      %swap3A_519 = arith.index_cast %add3A_518 : i32 to index
      %swap3A_520 = arith.constant 0 : index
      %swap3A_521 = tpu.vector_load %arg10[%swap3A_519, %swap3A_520] {strides = array<i32>} : memref<128x64xf32, #tpu.memory_space<vmem>>, vector<1x16xf32>,
      %swap3A_522 = vector.shape_cast %swap3A_521 : vector<1x16xf32> to vector<16xf32>
      %swap3A_523 = vector.shape_cast %scan3A_513#0 : vector<16xf32> to vector<1x16xf32>
      tpu.vector_store %arg10[%swap3A_519, %swap3A_520], %swap3A_523 {strides = array<i32>} : memref<128x64xf32, #tpu.memory_space<vmem>>, vector<1x16xf32>,
      %swap3A_524 = arith.index_cast %add3A_518 : i32 to index
      %swap3A_525 = arith.constant 16 : index
      %swap3A_526 = tpu.vector_load %arg10[%swap3A_524, %swap3A_525] {strides = array<i32>} : memref<128x64xf32, #tpu.memory_space<vmem>>, vector<1x16xf32>,
      %swap3A_527 = vector.shape_cast %swap3A_526 : vector<1x16xf32> to vector<16xf32>
      %swap3A_528 = vector.shape_cast %scan3A_513#1 : vector<16xf32> to vector<1x16xf32>
      tpu.vector_store %arg10[%swap3A_524, %swap3A_525], %swap3A_528 {strides = array<i32>} : memref<128x64xf32, #tpu.memory_space<vmem>>, vector<1x16xf32>,
      %swap3A_529 = arith.index_cast %add3A_518 : i32 to index
      %swap3A_530 = arith.constant 32 : index
      %swap3A_531 = tpu.vector_load %arg10[%swap3A_529, %swap3A_530] {strides = array<i32>} : memref<128x64xf32, #tpu.memory_space<vmem>>, vector<1x16xf32>,
      %swap3A_532 = vector.shape_cast %swap3A_531 : vector<1x16xf32> to vector<16xf32>
      %swap3A_533 = vector.shape_cast %scan3A_513#2 : vector<16xf32> to vector<1x16xf32>
      tpu.vector_store %arg10[%swap3A_529, %swap3A_530], %swap3A_533 {strides = array<i32>} : memref<128x64xf32, #tpu.memory_space<vmem>>, vector<1x16xf32>,
      %swap3A_534 = arith.index_cast %add3A_518 : i32 to index
      %swap3A_535 = arith.constant 48 : index
      %swap3A_536 = tpu.vector_load %arg10[%swap3A_534, %swap3A_535] {strides = array<i32>} : memref<128x64xf32, #tpu.memory_space<vmem>>, vector<1x16xf32>,
      %swap3A_537 = vector.shape_cast %swap3A_536 : vector<1x16xf32> to vector<16xf32>
      %swap3A_538 = vector.shape_cast %scan3A_513#3 : vector<16xf32> to vector<1x16xf32>
      tpu.vector_store %arg10[%swap3A_534, %swap3A_535], %swap3A_538 {strides = array<i32>} : memref<128x64xf32, #tpu.memory_space<vmem>>, vector<1x16xf32>,
      %add3A_539 = arith.constant 4 : i32
      %add3A_540 = arith.addi %add3A_379, %add3A_539 : i32
      %lt3A_541 = arith.constant 32 : i32
      %lt3A_542 = arith.cmpi slt, %add3A_540, %lt3A_541 : i32
      %convert_element_type3A_543 = arith.extui %lt3A_542 : i1 to i32
      %cond3A_544 = arith.constant 0 : i32
      %cond3A_545 = arith.cmpi ne, %convert_element_type3A_543, %cond3A_544 : i32
      scf.if %cond3A_545 {
        %add3A_716 = arith.constant 4 : i32
        %add3A_717 = arith.addi %add3A_379, %add3A_716 : i32
        %dma_start3A_718 = arith.constant 0 : i32
        %dma_start3A_719 = tpu.memref_slice %arg9[%add3A_717, %dma_start3A_718] : memref<32x200xi32, #tpu.memory_space<vmem>> -> memref<1x200xi32, #tpu.memory_space<vmem>>
        %dma_start3A_720 = tpu.memref_squeeze %dma_start3A_719 : memref<1x200xi32, #tpu.memory_space<vmem>> -> memref<200xi32, #tpu.memory_space<vmem>>
        %dma_start3A_721 = arith.constant 0 : i32
        %dma_start3A_722 = arith.constant 0 : i32
        %dma_start3A_723 = tpu.memref_slice %arg4[%dma_start3A_721, %dma_start3A_722] : memref<1000000x64xf32, #tpu.memory_space<hbm>> -> memref<1000000x64xf32, #tpu.memory_space<hbm>>
        tpu.enqueue_indirect_dma source(%dma_start3A_723 : memref<1000000x64xf32, #tpu.memory_space<hbm>>) target(%arg14 : memref<200x64xf32, #tpu.memory_space<vmem>>) offsets(%dma_start3A_720 : memref<200xi32, #tpu.memory_space<vmem>>) semaphore(%arg18 : memref<!tpu.dma_semaphore, #tpu.memory_space<semaphore_mem>>)
      } else {
      }
      %mul3A_546 = arith.constant 4 : i32
      %mul3A_547 = arith.muli %scan3A_40, %mul3A_546 : i32
      %add3A_548 = arith.constant 3 : i32
      %add3A_549 = arith.addi %mul3A_547, %add3A_548 : i32
      %dma_wait3A_550 = arith.constant 0 : i32
      %dma_wait3A_551 = arith.constant 0 : i32
      %dma_wait3A_552 = tpu.memref_slice %arg9[%dma_wait3A_550, %dma_wait3A_551] : memref<32x200xi32, #tpu.memory_space<vmem>> -> memref<1x200xi32, #tpu.memory_space<vmem>>
      %dma_wait3A_553 = tpu.memref_squeeze %dma_wait3A_552 : memref<1x200xi32, #tpu.memory_space<vmem>> -> memref<200xi32, #tpu.memory_space<vmem>>
      %dma_wait3A_554 = arith.constant 0 : i32
      %dma_wait3A_555 = arith.constant 0 : i32
      %dma_wait3A_556 = tpu.memref_slice %arg4[%dma_wait3A_554, %dma_wait3A_555] : memref<1000000x64xf32, #tpu.memory_space<hbm>> -> memref<1000000x64xf32, #tpu.memory_space<hbm>>
      tpu.wait_indirect_dma semaphore(%arg19 : memref<!tpu.dma_semaphore, #tpu.memory_space<semaphore_mem>>) src(%dma_wait3A_556 : memref<1000000x64xf32, #tpu.memory_space<hbm>>) dst(%arg15 : memref<200x64xf32, #tpu.memory_space<vmem>>)
      %broadcast_in_dim3A_557 = arith.constant 0.000000e+00 : f32
      %broadcast_in_dim3A_558 = vector.broadcast %broadcast_in_dim3A_557 : f32 to vector<16xf32>
      %broadcast_in_dim3A_559 = arith.constant 0.000000e+00 : f32
      %broadcast_in_dim3A_560 = vector.broadcast %broadcast_in_dim3A_559 : f32 to vector<16xf32>
      %broadcast_in_dim3A_561 = arith.constant 0.000000e+00 : f32
      %broadcast_in_dim3A_562 = vector.broadcast %broadcast_in_dim3A_561 : f32 to vector<16xf32>
      %broadcast_in_dim3A_563 = arith.constant 0.000000e+00 : f32
      %broadcast_in_dim3A_564 = vector.broadcast %broadcast_in_dim3A_563 : f32 to vector<16xf32>
      %scan3A_565 = arith.constant 0 : i32
      %scan3A_566 = arith.constant 50 : i32
      %scan3A_567 = arith.addi %scan3A_565, %scan3A_566 : i32
      %scan3A_568 = arith.constant 1 : i32
      %scan3A_569:4 = scf.for %scan3A_716 = %scan3A_565 to %scan3A_567 step %scan3A_568 iter_args(%scan3A_717 = %broadcast_in_dim3A_558, %scan3A_718 = %broadcast_in_dim3A_560, %scan3A_719 = %broadcast_in_dim3A_562, %scan3A_720 = %broadcast_in_dim3A_564) -> (vector<16xf32>, vector<16xf32>, vector<16xf32>, vector<16xf32>)  : i32 {
        %add3A_721 = arith.constant 0 : i32
        %add3A_722 = arith.addi %add3A_721, %scan3A_716 : i32
        %get3A = arith.index_cast %add3A_722 : i32 to index
        %get3A_723 = arith.constant 0 : index
        %get3A_724 = tpu.vector_load %arg15[%get3A, %get3A_723] {strides = array<i32>} : memref<200x64xf32, #tpu.memory_space<vmem>>, vector<1x16xf32>,
        %get3A_725 = vector.shape_cast %get3A_724 : vector<1x16xf32> to vector<16xf32>
        %add3A_726 = arith.addf %scan3A_717, %get3A_725 : vector<16xf32>
        %get3A_727 = arith.index_cast %add3A_722 : i32 to index
        %get3A_728 = arith.constant 16 : index
        %get3A_729 = tpu.vector_load %arg15[%get3A_727, %get3A_728] {strides = array<i32>} : memref<200x64xf32, #tpu.memory_space<vmem>>, vector<1x16xf32>,
        %get3A_730 = vector.shape_cast %get3A_729 : vector<1x16xf32> to vector<16xf32>
        %add3A_731 = arith.addf %scan3A_718, %get3A_730 : vector<16xf32>
        %get3A_732 = arith.index_cast %add3A_722 : i32 to index
        %get3A_733 = arith.constant 32 : index
        %get3A_734 = tpu.vector_load %arg15[%get3A_732, %get3A_733] {strides = array<i32>} : memref<200x64xf32, #tpu.memory_space<vmem>>, vector<1x16xf32>,
        %get3A_735 = vector.shape_cast %get3A_734 : vector<1x16xf32> to vector<16xf32>
        %add3A_736 = arith.addf %scan3A_719, %get3A_735 : vector<16xf32>
        %get3A_737 = arith.index_cast %add3A_722 : i32 to index
        %get3A_738 = arith.constant 48 : index
        %get3A_739 = tpu.vector_load %arg15[%get3A_737, %get3A_738] {strides = array<i32>} : memref<200x64xf32, #tpu.memory_space<vmem>>, vector<1x16xf32>,
        %get3A_740 = vector.shape_cast %get3A_739 : vector<1x16xf32> to vector<16xf32>
        %add3A_741 = arith.addf %scan3A_720, %get3A_740 : vector<16xf32>
        scf.yield %add3A_726, %add3A_731, %add3A_736, %add3A_741 : vector<16xf32>, vector<16xf32>, vector<16xf32>, vector<16xf32>
      }
      %scan3A_570 = arith.constant 50 : i32
      %mul3A_571 = arith.constant 4 : i32
      %mul3A_572 = arith.muli %add3A_549, %mul3A_571 : i32
      %add3A_573 = arith.constant 0 : i32
      %add3A_574 = arith.addi %mul3A_572, %add3A_573 : i32
      %swap3A_575 = arith.index_cast %add3A_574 : i32 to index
      %swap3A_576 = arith.constant 0 : index
      %swap3A_577 = tpu.vector_load %arg10[%swap3A_575, %swap3A_576] {strides = array<i32>} : memref<128x64xf32, #tpu.memory_space<vmem>>, vector<1x16xf32>,
      %swap3A_578 = vector.shape_cast %swap3A_577 : vector<1x16xf32> to vector<16xf32>
      %swap3A_579 = vector.shape_cast %scan3A_569#0 : vector<16xf32> to vector<1x16xf32>
      tpu.vector_store %arg10[%swap3A_575, %swap3A_576], %swap3A_579 {strides = array<i32>} : memref<128x64xf32, #tpu.memory_space<vmem>>, vector<1x16xf32>,
      %swap3A_580 = arith.index_cast %add3A_574 : i32 to index
      %swap3A_581 = arith.constant 16 : index
      %swap3A_582 = tpu.vector_load %arg10[%swap3A_580, %swap3A_581] {strides = array<i32>} : memref<128x64xf32, #tpu.memory_space<vmem>>, vector<1x16xf32>,
      %swap3A_583 = vector.shape_cast %swap3A_582 : vector<1x16xf32> to vector<16xf32>
      %swap3A_584 = vector.shape_cast %scan3A_569#1 : vector<16xf32> to vector<1x16xf32>
      tpu.vector_store %arg10[%swap3A_580, %swap3A_581], %swap3A_584 {strides = array<i32>} : memref<128x64xf32, #tpu.memory_space<vmem>>, vector<1x16xf32>,
      %swap3A_585 = arith.index_cast %add3A_574 : i32 to index
      %swap3A_586 = arith.constant 32 : index
      %swap3A_587 = tpu.vector_load %arg10[%swap3A_585, %swap3A_586] {strides = array<i32>} : memref<128x64xf32, #tpu.memory_space<vmem>>, vector<1x16xf32>,
      %swap3A_588 = vector.shape_cast %swap3A_587 : vector<1x16xf32> to vector<16xf32>
      %swap3A_589 = vector.shape_cast %scan3A_569#2 : vector<16xf32> to vector<1x16xf32>
      tpu.vector_store %arg10[%swap3A_585, %swap3A_586], %swap3A_589 {strides = array<i32>} : memref<128x64xf32, #tpu.memory_space<vmem>>, vector<1x16xf32>,
      %swap3A_590 = arith.index_cast %add3A_574 : i32 to index
      %swap3A_591 = arith.constant 48 : index
      %swap3A_592 = tpu.vector_load %arg10[%swap3A_590, %swap3A_591] {strides = array<i32>} : memref<128x64xf32, #tpu.memory_space<vmem>>, vector<1x16xf32>,
      %swap3A_593 = vector.shape_cast %swap3A_592 : vector<1x16xf32> to vector<16xf32>
      %swap3A_594 = vector.shape_cast %scan3A_569#3 : vector<16xf32> to vector<1x16xf32>
      tpu.vector_store %arg10[%swap3A_590, %swap3A_591], %swap3A_594 {strides = array<i32>} : memref<128x64xf32, #tpu.memory_space<vmem>>, vector<1x16xf32>,
      %broadcast_in_dim3A_595 = arith.constant 0.000000e+00 : f32
      %broadcast_in_dim3A_596 = vector.broadcast %broadcast_in_dim3A_595 : f32 to vector<16xf32>
      %broadcast_in_dim3A_597 = arith.constant 0.000000e+00 : f32
      %broadcast_in_dim3A_598 = vector.broadcast %broadcast_in_dim3A_597 : f32 to vector<16xf32>
      %broadcast_in_dim3A_599 = arith.constant 0.000000e+00 : f32
      %broadcast_in_dim3A_600 = vector.broadcast %broadcast_in_dim3A_599 : f32 to vector<16xf32>
      %broadcast_in_dim3A_601 = arith.constant 0.000000e+00 : f32
      %broadcast_in_dim3A_602 = vector.broadcast %broadcast_in_dim3A_601 : f32 to vector<16xf32>
      %scan3A_603 = arith.constant 0 : i32
      %scan3A_604 = arith.constant 50 : i32
      %scan3A_605 = arith.addi %scan3A_603, %scan3A_604 : i32
      %scan3A_606 = arith.constant 1 : i32
      %scan3A_607:4 = scf.for %scan3A_716 = %scan3A_603 to %scan3A_605 step %scan3A_606 iter_args(%scan3A_717 = %broadcast_in_dim3A_596, %scan3A_718 = %broadcast_in_dim3A_598, %scan3A_719 = %broadcast_in_dim3A_600, %scan3A_720 = %broadcast_in_dim3A_602) -> (vector<16xf32>, vector<16xf32>, vector<16xf32>, vector<16xf32>)  : i32 {
        %add3A_721 = arith.constant 50 : i32
        %add3A_722 = arith.addi %add3A_721, %scan3A_716 : i32
        %get3A = arith.index_cast %add3A_722 : i32 to index
        %get3A_723 = arith.constant 0 : index
        %get3A_724 = tpu.vector_load %arg15[%get3A, %get3A_723] {strides = array<i32>} : memref<200x64xf32, #tpu.memory_space<vmem>>, vector<1x16xf32>,
        %get3A_725 = vector.shape_cast %get3A_724 : vector<1x16xf32> to vector<16xf32>
        %add3A_726 = arith.addf %scan3A_717, %get3A_725 : vector<16xf32>
        %get3A_727 = arith.index_cast %add3A_722 : i32 to index
        %get3A_728 = arith.constant 16 : index
        %get3A_729 = tpu.vector_load %arg15[%get3A_727, %get3A_728] {strides = array<i32>} : memref<200x64xf32, #tpu.memory_space<vmem>>, vector<1x16xf32>,
        %get3A_730 = vector.shape_cast %get3A_729 : vector<1x16xf32> to vector<16xf32>
        %add3A_731 = arith.addf %scan3A_718, %get3A_730 : vector<16xf32>
        %get3A_732 = arith.index_cast %add3A_722 : i32 to index
        %get3A_733 = arith.constant 32 : index
        %get3A_734 = tpu.vector_load %arg15[%get3A_732, %get3A_733] {strides = array<i32>} : memref<200x64xf32, #tpu.memory_space<vmem>>, vector<1x16xf32>,
        %get3A_735 = vector.shape_cast %get3A_734 : vector<1x16xf32> to vector<16xf32>
        %add3A_736 = arith.addf %scan3A_719, %get3A_735 : vector<16xf32>
        %get3A_737 = arith.index_cast %add3A_722 : i32 to index
        %get3A_738 = arith.constant 48 : index
        %get3A_739 = tpu.vector_load %arg15[%get3A_737, %get3A_738] {strides = array<i32>} : memref<200x64xf32, #tpu.memory_space<vmem>>, vector<1x16xf32>,
        %get3A_740 = vector.shape_cast %get3A_739 : vector<1x16xf32> to vector<16xf32>
        %add3A_741 = arith.addf %scan3A_720, %get3A_740 : vector<16xf32>
        scf.yield %add3A_726, %add3A_731, %add3A_736, %add3A_741 : vector<16xf32>, vector<16xf32>, vector<16xf32>, vector<16xf32>
      }
      %scan3A_608 = arith.constant 50 : i32
      %mul3A_609 = arith.constant 4 : i32
      %mul3A_610 = arith.muli %add3A_549, %mul3A_609 : i32
      %add3A_611 = arith.constant 1 : i32
      %add3A_612 = arith.addi %mul3A_610, %add3A_611 : i32
      %swap3A_613 = arith.index_cast %add3A_612 : i32 to index
      %swap3A_614 = arith.constant 0 : index
      %swap3A_615 = tpu.vector_load %arg10[%swap3A_613, %swap3A_614] {strides = array<i32>} : memref<128x64xf32, #tpu.memory_space<vmem>>, vector<1x16xf32>,
      %swap3A_616 = vector.shape_cast %swap3A_615 : vector<1x16xf32> to vector<16xf32>
      %swap3A_617 = vector.shape_cast %scan3A_607#0 : vector<16xf32> to vector<1x16xf32>
      tpu.vector_store %arg10[%swap3A_613, %swap3A_614], %swap3A_617 {strides = array<i32>} : memref<128x64xf32, #tpu.memory_space<vmem>>, vector<1x16xf32>,
      %swap3A_618 = arith.index_cast %add3A_612 : i32 to index
      %swap3A_619 = arith.constant 16 : index
      %swap3A_620 = tpu.vector_load %arg10[%swap3A_618, %swap3A_619] {strides = array<i32>} : memref<128x64xf32, #tpu.memory_space<vmem>>, vector<1x16xf32>,
      %swap3A_621 = vector.shape_cast %swap3A_620 : vector<1x16xf32> to vector<16xf32>
      %swap3A_622 = vector.shape_cast %scan3A_607#1 : vector<16xf32> to vector<1x16xf32>
      tpu.vector_store %arg10[%swap3A_618, %swap3A_619], %swap3A_622 {strides = array<i32>} : memref<128x64xf32, #tpu.memory_space<vmem>>, vector<1x16xf32>,
      %swap3A_623 = arith.index_cast %add3A_612 : i32 to index
      %swap3A_624 = arith.constant 32 : index
      %swap3A_625 = tpu.vector_load %arg10[%swap3A_623, %swap3A_624] {strides = array<i32>} : memref<128x64xf32, #tpu.memory_space<vmem>>, vector<1x16xf32>,
      %swap3A_626 = vector.shape_cast %swap3A_625 : vector<1x16xf32> to vector<16xf32>
      %swap3A_627 = vector.shape_cast %scan3A_607#2 : vector<16xf32> to vector<1x16xf32>
      tpu.vector_store %arg10[%swap3A_623, %swap3A_624], %swap3A_627 {strides = array<i32>} : memref<128x64xf32, #tpu.memory_space<vmem>>, vector<1x16xf32>,
      %swap3A_628 = arith.index_cast %add3A_612 : i32 to index
      %swap3A_629 = arith.constant 48 : index
      %swap3A_630 = tpu.vector_load %arg10[%swap3A_628, %swap3A_629] {strides = array<i32>} : memref<128x64xf32, #tpu.memory_space<vmem>>, vector<1x16xf32>,
      %swap3A_631 = vector.shape_cast %swap3A_630 : vector<1x16xf32> to vector<16xf32>
      %swap3A_632 = vector.shape_cast %scan3A_607#3 : vector<16xf32> to vector<1x16xf32>
      tpu.vector_store %arg10[%swap3A_628, %swap3A_629], %swap3A_632 {strides = array<i32>} : memref<128x64xf32, #tpu.memory_space<vmem>>, vector<1x16xf32>,
      %broadcast_in_dim3A_633 = arith.constant 0.000000e+00 : f32
      %broadcast_in_dim3A_634 = vector.broadcast %broadcast_in_dim3A_633 : f32 to vector<16xf32>
      %broadcast_in_dim3A_635 = arith.constant 0.000000e+00 : f32
      %broadcast_in_dim3A_636 = vector.broadcast %broadcast_in_dim3A_635 : f32 to vector<16xf32>
      %broadcast_in_dim3A_637 = arith.constant 0.000000e+00 : f32
      %broadcast_in_dim3A_638 = vector.broadcast %broadcast_in_dim3A_637 : f32 to vector<16xf32>
      %broadcast_in_dim3A_639 = arith.constant 0.000000e+00 : f32
      %broadcast_in_dim3A_640 = vector.broadcast %broadcast_in_dim3A_639 : f32 to vector<16xf32>
      %scan3A_641 = arith.constant 0 : i32
      %scan3A_642 = arith.constant 50 : i32
      %scan3A_643 = arith.addi %scan3A_641, %scan3A_642 : i32
      %scan3A_644 = arith.constant 1 : i32
      %scan3A_645:4 = scf.for %scan3A_716 = %scan3A_641 to %scan3A_643 step %scan3A_644 iter_args(%scan3A_717 = %broadcast_in_dim3A_634, %scan3A_718 = %broadcast_in_dim3A_636, %scan3A_719 = %broadcast_in_dim3A_638, %scan3A_720 = %broadcast_in_dim3A_640) -> (vector<16xf32>, vector<16xf32>, vector<16xf32>, vector<16xf32>)  : i32 {
        %add3A_721 = arith.constant 100 : i32
        %add3A_722 = arith.addi %add3A_721, %scan3A_716 : i32
        %get3A = arith.index_cast %add3A_722 : i32 to index
        %get3A_723 = arith.constant 0 : index
        %get3A_724 = tpu.vector_load %arg15[%get3A, %get3A_723] {strides = array<i32>} : memref<200x64xf32, #tpu.memory_space<vmem>>, vector<1x16xf32>,
        %get3A_725 = vector.shape_cast %get3A_724 : vector<1x16xf32> to vector<16xf32>
        %add3A_726 = arith.addf %scan3A_717, %get3A_725 : vector<16xf32>
        %get3A_727 = arith.index_cast %add3A_722 : i32 to index
        %get3A_728 = arith.constant 16 : index
        %get3A_729 = tpu.vector_load %arg15[%get3A_727, %get3A_728] {strides = array<i32>} : memref<200x64xf32, #tpu.memory_space<vmem>>, vector<1x16xf32>,
        %get3A_730 = vector.shape_cast %get3A_729 : vector<1x16xf32> to vector<16xf32>
        %add3A_731 = arith.addf %scan3A_718, %get3A_730 : vector<16xf32>
        %get3A_732 = arith.index_cast %add3A_722 : i32 to index
        %get3A_733 = arith.constant 32 : index
        %get3A_734 = tpu.vector_load %arg15[%get3A_732, %get3A_733] {strides = array<i32>} : memref<200x64xf32, #tpu.memory_space<vmem>>, vector<1x16xf32>,
        %get3A_735 = vector.shape_cast %get3A_734 : vector<1x16xf32> to vector<16xf32>
        %add3A_736 = arith.addf %scan3A_719, %get3A_735 : vector<16xf32>
        %get3A_737 = arith.index_cast %add3A_722 : i32 to index
        %get3A_738 = arith.constant 48 : index
        %get3A_739 = tpu.vector_load %arg15[%get3A_737, %get3A_738] {strides = array<i32>} : memref<200x64xf32, #tpu.memory_space<vmem>>, vector<1x16xf32>,
        %get3A_740 = vector.shape_cast %get3A_739 : vector<1x16xf32> to vector<16xf32>
        %add3A_741 = arith.addf %scan3A_720, %get3A_740 : vector<16xf32>
        scf.yield %add3A_726, %add3A_731, %add3A_736, %add3A_741 : vector<16xf32>, vector<16xf32>, vector<16xf32>, vector<16xf32>
      }
      %scan3A_646 = arith.constant 50 : i32
      %mul3A_647 = arith.constant 4 : i32
      %mul3A_648 = arith.muli %add3A_549, %mul3A_647 : i32
      %add3A_649 = arith.constant 2 : i32
      %add3A_650 = arith.addi %mul3A_648, %add3A_649 : i32
      %swap3A_651 = arith.index_cast %add3A_650 : i32 to index
      %swap3A_652 = arith.constant 0 : index
      %swap3A_653 = tpu.vector_load %arg10[%swap3A_651, %swap3A_652] {strides = array<i32>} : memref<128x64xf32, #tpu.memory_space<vmem>>, vector<1x16xf32>,
      %swap3A_654 = vector.shape_cast %swap3A_653 : vector<1x16xf32> to vector<16xf32>
      %swap3A_655 = vector.shape_cast %scan3A_645#0 : vector<16xf32> to vector<1x16xf32>
      tpu.vector_store %arg10[%swap3A_651, %swap3A_652], %swap3A_655 {strides = array<i32>} : memref<128x64xf32, #tpu.memory_space<vmem>>, vector<1x16xf32>,
      %swap3A_656 = arith.index_cast %add3A_650 : i32 to index
      %swap3A_657 = arith.constant 16 : index
      %swap3A_658 = tpu.vector_load %arg10[%swap3A_656, %swap3A_657] {strides = array<i32>} : memref<128x64xf32, #tpu.memory_space<vmem>>, vector<1x16xf32>,
      %swap3A_659 = vector.shape_cast %swap3A_658 : vector<1x16xf32> to vector<16xf32>
      %swap3A_660 = vector.shape_cast %scan3A_645#1 : vector<16xf32> to vector<1x16xf32>
      tpu.vector_store %arg10[%swap3A_656, %swap3A_657], %swap3A_660 {strides = array<i32>} : memref<128x64xf32, #tpu.memory_space<vmem>>, vector<1x16xf32>,
      %swap3A_661 = arith.index_cast %add3A_650 : i32 to index
      %swap3A_662 = arith.constant 32 : index
      %swap3A_663 = tpu.vector_load %arg10[%swap3A_661, %swap3A_662] {strides = array<i32>} : memref<128x64xf32, #tpu.memory_space<vmem>>, vector<1x16xf32>,
      %swap3A_664 = vector.shape_cast %swap3A_663 : vector<1x16xf32> to vector<16xf32>
      %swap3A_665 = vector.shape_cast %scan3A_645#2 : vector<16xf32> to vector<1x16xf32>
      tpu.vector_store %arg10[%swap3A_661, %swap3A_662], %swap3A_665 {strides = array<i32>} : memref<128x64xf32, #tpu.memory_space<vmem>>, vector<1x16xf32>,
      %swap3A_666 = arith.index_cast %add3A_650 : i32 to index
      %swap3A_667 = arith.constant 48 : index
      %swap3A_668 = tpu.vector_load %arg10[%swap3A_666, %swap3A_667] {strides = array<i32>} : memref<128x64xf32, #tpu.memory_space<vmem>>, vector<1x16xf32>,
      %swap3A_669 = vector.shape_cast %swap3A_668 : vector<1x16xf32> to vector<16xf32>
      %swap3A_670 = vector.shape_cast %scan3A_645#3 : vector<16xf32> to vector<1x16xf32>
      tpu.vector_store %arg10[%swap3A_666, %swap3A_667], %swap3A_670 {strides = array<i32>} : memref<128x64xf32, #tpu.memory_space<vmem>>, vector<1x16xf32>,
      %broadcast_in_dim3A_671 = arith.constant 0.000000e+00 : f32
      %broadcast_in_dim3A_672 = vector.broadcast %broadcast_in_dim3A_671 : f32 to vector<16xf32>
      %broadcast_in_dim3A_673 = arith.constant 0.000000e+00 : f32
      %broadcast_in_dim3A_674 = vector.broadcast %broadcast_in_dim3A_673 : f32 to vector<16xf32>
      %broadcast_in_dim3A_675 = arith.constant 0.000000e+00 : f32
      %broadcast_in_dim3A_676 = vector.broadcast %broadcast_in_dim3A_675 : f32 to vector<16xf32>
      %broadcast_in_dim3A_677 = arith.constant 0.000000e+00 : f32
      %broadcast_in_dim3A_678 = vector.broadcast %broadcast_in_dim3A_677 : f32 to vector<16xf32>
      %scan3A_679 = arith.constant 0 : i32
      %scan3A_680 = arith.constant 50 : i32
      %scan3A_681 = arith.addi %scan3A_679, %scan3A_680 : i32
      %scan3A_682 = arith.constant 1 : i32
      %scan3A_683:4 = scf.for %scan3A_716 = %scan3A_679 to %scan3A_681 step %scan3A_682 iter_args(%scan3A_717 = %broadcast_in_dim3A_672, %scan3A_718 = %broadcast_in_dim3A_674, %scan3A_719 = %broadcast_in_dim3A_676, %scan3A_720 = %broadcast_in_dim3A_678) -> (vector<16xf32>, vector<16xf32>, vector<16xf32>, vector<16xf32>)  : i32 {
        %add3A_721 = arith.constant 150 : i32
        %add3A_722 = arith.addi %add3A_721, %scan3A_716 : i32
        %get3A = arith.index_cast %add3A_722 : i32 to index
        %get3A_723 = arith.constant 0 : index
        %get3A_724 = tpu.vector_load %arg15[%get3A, %get3A_723] {strides = array<i32>} : memref<200x64xf32, #tpu.memory_space<vmem>>, vector<1x16xf32>,
        %get3A_725 = vector.shape_cast %get3A_724 : vector<1x16xf32> to vector<16xf32>
        %add3A_726 = arith.addf %scan3A_717, %get3A_725 : vector<16xf32>
        %get3A_727 = arith.index_cast %add3A_722 : i32 to index
        %get3A_728 = arith.constant 16 : index
        %get3A_729 = tpu.vector_load %arg15[%get3A_727, %get3A_728] {strides = array<i32>} : memref<200x64xf32, #tpu.memory_space<vmem>>, vector<1x16xf32>,
        %get3A_730 = vector.shape_cast %get3A_729 : vector<1x16xf32> to vector<16xf32>
        %add3A_731 = arith.addf %scan3A_718, %get3A_730 : vector<16xf32>
        %get3A_732 = arith.index_cast %add3A_722 : i32 to index
        %get3A_733 = arith.constant 32 : index
        %get3A_734 = tpu.vector_load %arg15[%get3A_732, %get3A_733] {strides = array<i32>} : memref<200x64xf32, #tpu.memory_space<vmem>>, vector<1x16xf32>,
        %get3A_735 = vector.shape_cast %get3A_734 : vector<1x16xf32> to vector<16xf32>
        %add3A_736 = arith.addf %scan3A_719, %get3A_735 : vector<16xf32>
        %get3A_737 = arith.index_cast %add3A_722 : i32 to index
        %get3A_738 = arith.constant 48 : index
        %get3A_739 = tpu.vector_load %arg15[%get3A_737, %get3A_738] {strides = array<i32>} : memref<200x64xf32, #tpu.memory_space<vmem>>, vector<1x16xf32>,
        %get3A_740 = vector.shape_cast %get3A_739 : vector<1x16xf32> to vector<16xf32>
        %add3A_741 = arith.addf %scan3A_720, %get3A_740 : vector<16xf32>
        scf.yield %add3A_726, %add3A_731, %add3A_736, %add3A_741 : vector<16xf32>, vector<16xf32>, vector<16xf32>, vector<16xf32>
      }
      %scan3A_684 = arith.constant 50 : i32
      %mul3A_685 = arith.constant 4 : i32
      %mul3A_686 = arith.muli %add3A_549, %mul3A_685 : i32
      %add3A_687 = arith.constant 3 : i32
      %add3A_688 = arith.addi %mul3A_686, %add3A_687 : i32
      %swap3A_689 = arith.index_cast %add3A_688 : i32 to index
      %swap3A_690 = arith.constant 0 : index
      %swap3A_691 = tpu.vector_load %arg10[%swap3A_689, %swap3A_690] {strides = array<i32>} : memref<128x64xf32, #tpu.memory_space<vmem>>, vector<1x16xf32>,
      %swap3A_692 = vector.shape_cast %swap3A_691 : vector<1x16xf32> to vector<16xf32>
      %swap3A_693 = vector.shape_cast %scan3A_683#0 : vector<16xf32> to vector<1x16xf32>
      tpu.vector_store %arg10[%swap3A_689, %swap3A_690], %swap3A_693 {strides = array<i32>} : memref<128x64xf32, #tpu.memory_space<vmem>>, vector<1x16xf32>,
      %swap3A_694 = arith.index_cast %add3A_688 : i32 to index
      %swap3A_695 = arith.constant 16 : index
      %swap3A_696 = tpu.vector_load %arg10[%swap3A_694, %swap3A_695] {strides = array<i32>} : memref<128x64xf32, #tpu.memory_space<vmem>>, vector<1x16xf32>,
      %swap3A_697 = vector.shape_cast %swap3A_696 : vector<1x16xf32> to vector<16xf32>
      %swap3A_698 = vector.shape_cast %scan3A_683#1 : vector<16xf32> to vector<1x16xf32>
      tpu.vector_store %arg10[%swap3A_694, %swap3A_695], %swap3A_698 {strides = array<i32>} : memref<128x64xf32, #tpu.memory_space<vmem>>, vector<1x16xf32>,
      %swap3A_699 = arith.index_cast %add3A_688 : i32 to index
      %swap3A_700 = arith.constant 32 : index
      %swap3A_701 = tpu.vector_load %arg10[%swap3A_699, %swap3A_700] {strides = array<i32>} : memref<128x64xf32, #tpu.memory_space<vmem>>, vector<1x16xf32>,
      %swap3A_702 = vector.shape_cast %swap3A_701 : vector<1x16xf32> to vector<16xf32>
      %swap3A_703 = vector.shape_cast %scan3A_683#2 : vector<16xf32> to vector<1x16xf32>
      tpu.vector_store %arg10[%swap3A_699, %swap3A_700], %swap3A_703 {strides = array<i32>} : memref<128x64xf32, #tpu.memory_space<vmem>>, vector<1x16xf32>,
      %swap3A_704 = arith.index_cast %add3A_688 : i32 to index
      %swap3A_705 = arith.constant 48 : index
      %swap3A_706 = tpu.vector_load %arg10[%swap3A_704, %swap3A_705] {strides = array<i32>} : memref<128x64xf32, #tpu.memory_space<vmem>>, vector<1x16xf32>,
      %swap3A_707 = vector.shape_cast %swap3A_706 : vector<1x16xf32> to vector<16xf32>
      %swap3A_708 = vector.shape_cast %scan3A_683#3 : vector<16xf32> to vector<1x16xf32>
      tpu.vector_store %arg10[%swap3A_704, %swap3A_705], %swap3A_708 {strides = array<i32>} : memref<128x64xf32, #tpu.memory_space<vmem>>, vector<1x16xf32>,
      %add3A_709 = arith.constant 4 : i32
      %add3A_710 = arith.addi %add3A_549, %add3A_709 : i32
      %lt3A_711 = arith.constant 32 : i32
      %lt3A_712 = arith.cmpi slt, %add3A_710, %lt3A_711 : i32
      %convert_element_type3A_713 = arith.extui %lt3A_712 : i1 to i32
      %cond3A_714 = arith.constant 0 : i32
      %cond3A_715 = arith.cmpi ne, %convert_element_type3A_713, %cond3A_714 : i32
      scf.if %cond3A_715 {
        %add3A_716 = arith.constant 4 : i32
        %add3A_717 = arith.addi %add3A_549, %add3A_716 : i32
        %dma_start3A_718 = arith.constant 0 : i32
        %dma_start3A_719 = tpu.memref_slice %arg9[%add3A_717, %dma_start3A_718] : memref<32x200xi32, #tpu.memory_space<vmem>> -> memref<1x200xi32, #tpu.memory_space<vmem>>
        %dma_start3A_720 = tpu.memref_squeeze %dma_start3A_719 : memref<1x200xi32, #tpu.memory_space<vmem>> -> memref<200xi32, #tpu.memory_space<vmem>>
        %dma_start3A_721 = arith.constant 0 : i32
        %dma_start3A_722 = arith.constant 0 : i32
        %dma_start3A_723 = tpu.memref_slice %arg4[%dma_start3A_721, %dma_start3A_722] : memref<1000000x64xf32, #tpu.memory_space<hbm>> -> memref<1000000x64xf32, #tpu.memory_space<hbm>>
        tpu.enqueue_indirect_dma source(%dma_start3A_723 : memref<1000000x64xf32, #tpu.memory_space<hbm>>) target(%arg15 : memref<200x64xf32, #tpu.memory_space<vmem>>) offsets(%dma_start3A_720 : memref<200xi32, #tpu.memory_space<vmem>>) semaphore(%arg19 : memref<!tpu.dma_semaphore, #tpu.memory_space<semaphore_mem>>)
      } else {
      }
    }
    %scan3A_37 = arith.constant 8 : i32
    %dma_wait3A = arith.constant 0 : i32
    %dma_wait3A_38 = arith.constant 0 : i32
    %dma_wait3A_39 = tpu.memref_slice %arg4[%dma_wait3A, %dma_wait3A_38] : memref<1000000x64xf32, #tpu.memory_space<hbm>> -> memref<1000000x64xf32, #tpu.memory_space<hbm>>
    tpu.wait_indirect_dma semaphore(%arg11 : memref<!tpu.dma_semaphore, #tpu.memory_space<semaphore_mem>>) src(%dma_wait3A_39 : memref<1000000x64xf32, #tpu.memory_space<hbm>>) dst(%arg8 : memref<128x64xf32, #tpu.memory_space<vmem>>)
    "tpu.region"() ({
      %run_scoped3A = tpu.sem_alloc : memref<!tpu.dma_semaphore, #tpu.memory_space<semaphore_mem>>
      %dma_start3A_40 = arith.constant 0 : i32
      %dma_start3A_41 = tpu.memref_slice %arg5[%mul3A_2, %dma_start3A_40] : memref<4096x64xf32, #tpu.memory_space<hbm>> -> memref<128x64xf32, #tpu.memory_space<hbm>>
      %dma_start3A_42 = arith.constant 0 : i32
      %dma_start3A_43 = tpu.memref_slice %arg5[%mul3A_2, %dma_start3A_42] : memref<4096x64xf32, #tpu.memory_space<hbm>> -> memref<128x64xf32, #tpu.memory_space<hbm>>
      tpu.enqueue_dma source(%arg8 : memref<128x64xf32, #tpu.memory_space<vmem>>) target(%dma_start3A_43 : memref<128x64xf32, #tpu.memory_space<hbm>>) target_semaphore(%run_scoped3A : memref<!tpu.dma_semaphore, #tpu.memory_space<semaphore_mem>>)
      %dma_wait3A_44 = arith.constant 0 : i32
      %dma_wait3A_45 = tpu.memref_slice %arg5[%mul3A_2, %dma_wait3A_44] : memref<4096x64xf32, #tpu.memory_space<hbm>> -> memref<128x64xf32, #tpu.memory_space<hbm>>
      %dma_wait3A_46 = arith.constant 0 : i32
      %dma_wait3A_47 = tpu.memref_slice %arg5[%mul3A_2, %dma_wait3A_46] : memref<4096x64xf32, #tpu.memory_space<hbm>> -> memref<128x64xf32, #tpu.memory_space<hbm>>
      tpu.wait_dma2 semaphore(%run_scoped3A : memref<!tpu.dma_semaphore, #tpu.memory_space<semaphore_mem>>) src(%arg8 : memref<128x64xf32, #tpu.memory_space<vmem>>) dst(%dma_wait3A_47 : memref<128x64xf32, #tpu.memory_space<hbm>>)
      tpu.yield
    }) : () -> ()
    "tpu.region"() ({
      %run_scoped3A = tpu.sem_alloc : memref<!tpu.dma_semaphore, #tpu.memory_space<semaphore_mem>>
      %dma_start3A_40 = arith.constant 0 : i32
      %dma_start3A_41 = tpu.memref_slice %arg6[%mul3A_2, %dma_start3A_40] : memref<4096x64xf32, #tpu.memory_space<hbm>> -> memref<128x64xf32, #tpu.memory_space<hbm>>
      %dma_start3A_42 = arith.constant 0 : i32
      %dma_start3A_43 = tpu.memref_slice %arg6[%mul3A_2, %dma_start3A_42] : memref<4096x64xf32, #tpu.memory_space<hbm>> -> memref<128x64xf32, #tpu.memory_space<hbm>>
      tpu.enqueue_dma source(%arg10 : memref<128x64xf32, #tpu.memory_space<vmem>>) target(%dma_start3A_43 : memref<128x64xf32, #tpu.memory_space<hbm>>) target_semaphore(%run_scoped3A : memref<!tpu.dma_semaphore, #tpu.memory_space<semaphore_mem>>)
      %dma_wait3A_44 = arith.constant 0 : i32
      %dma_wait3A_45 = tpu.memref_slice %arg6[%mul3A_2, %dma_wait3A_44] : memref<4096x64xf32, #tpu.memory_space<hbm>> -> memref<128x64xf32, #tpu.memory_space<hbm>>
      %dma_wait3A_46 = arith.constant 0 : i32
      %dma_wait3A_47 = tpu.memref_slice %arg6[%mul3A_2, %dma_wait3A_46] : memref<4096x64xf32, #tpu.memory_space<hbm>> -> memref<128x64xf32, #tpu.memory_space<hbm>>
      tpu.wait_dma2 semaphore(%run_scoped3A : memref<!tpu.dma_semaphore, #tpu.memory_space<semaphore_mem>>) src(%arg10 : memref<128x64xf32, #tpu.memory_space<vmem>>) dst(%dma_wait3A_47 : memref<128x64xf32, #tpu.memory_space<hbm>>)
      tpu.yield
    }) : () -> ()
    return
  }
}

</mosaic_0001>

<sc_bundles>
// kernel: kernel.3.cloned.1.call-start
scs
__scs_entry_jumppad:
0x0: {  	(pc) =	sbr.rel $0x88, $3  }
0x1: {  	(tag) =	ssettag $0x0;
	lr =	simm.s32 $0x1  }
0x2: {  	[smem:$0x3F9E] =	sst lr;
	_ =	strace $0xD0000000  }
0x3: {  	_ = 	snop  }
0x4: {  	_ = 	snop  }
0x5: {  	_ = 	snop  }
0x6: {  	_ = 	snop  }
0x7: {  	_ = 	snop  }
__scs_overlays_trampoline_lowered:
0x8: {  	[smem:$0x3FAD] =	sst s0  }
0x9: {  	[smem:$0x3FAE] =	sst s1  }
0xa: {  	[smem:$0x3FAF] =	sst s2  }
0xb: {  	[smem:$0x3FB0] =	sst s3  }
0xc: {  	[smem:$0x3FB1] =	sst s4  }
0xd: {  	[smem:$0x3FB2] =	sst s5  }
0xe: {  	[smem:$0x3FB3] =	sst s6  }
0xf: {  	[smem:$0x3FB4] =	sst s7  }
0x10: {  	[smem:$0x3FB5] =	sst s8  }
0x11: {  	[smem:$0x3FB6] =	sst s9;
	s0 =	simm.s32 @!p0 $0x0  }
0x12: {  	s1 =	sld [smem:$0x3F9C];
	s0 =	simm.s32 @p0 $0x1  }
0x13: {  	[smem:$0x3FB7] =	sst s0;
	s0 =	simm.s32 @!p1 $0x0  }
0x14: {  	s2 =	sld [smem:$0x3F9B];
	s0 =	simm.s32 @p1 $0x1  }
0x15: {  	[smem:$0x3FB8] =	sst s0;
	s0 =	simm.s32 @!p2 $0x0  }
0x16: {  	s3 =	sld [smem:$0x3FDB];
	s0 =	simm.s32 @p2 $0x1  }
0x17: {  	s4 =	simm.s32 $0x1BF5;
	[smem:$0x3FBA] =	sst s0  }
0x18: {  	s0 =	sld [smem:$0x3F9D];
	_ =	swait.ge [sflag:s4], $0x0  }
0x19: {  	s7 =	sld [smem:$0x3F9E]  }
0x1a: {  	s8 =	sadd.s32 $0xFFFFE003, lr  }
0x1b: {  	s9 =	sadd.s32 $0xFFFFFEF7, lr;
	s5 =	simm.s32 $0xFFFFFFFF;
	p2 =	slt.u32 s8, $0xFFFFF086  }
0x1c: {  	p1 =	slt.u32 s9, $0xF7A;
	s5 =	simm.s32 @!p2 $0x0  }
0x1d: {  	s5 =	simm.s32 @p1 $0x1;
	p0 =	seq.s32 s7, s2  }
0x1e: {  	s7 =	smul.u32 @!p0 $0xF7A, s2;
	p2 =	seq.s32 @!p0 s5, $0x0  }
0x1f: {  	s9 =	smul.u32 $0xF7A, s1;
	s8 =	simm.s32 @!p0 $0x1BF5;
	p2 =	por !p2, p0  }
0x20: {  	[sflag:s8] =	ssyncset.s32 @!p0 $0xFFFFF086;
	s6 =	sadd.s32 @!p0 s3, s7;
	s7 =	simm.s32 @!p0 $0x108  }
0x21: {  	s3 =	sadd.s32 s3, s9;
	s6 =	sadd.s32 @!p0 $0x88, s6;
	s7 =	simm.s32 @p2 $0x1082  }
0x22: {  	[simem:s7], [sflag:s8] =	dma.local @!p0 [hbm:s6], $0xF7A  }
0x23: {  	s9 =	sor.u32 $0xD0000000, s2;
	s6 =	simm.s32 $0x108;
	_ =	swait.ge @!p0 [sflag:s8], $0x0  }
0x24: {  	s3 =	sadd.s32 $0x88, s3;
	s6 =	simm.s32 @!p1 $0x1082;
	[sflag:s4] =	ssyncset.s32 $0xFFFFF086  }
0x25: {  	[simem:s6], [sflag:s4] =	dma.local [hbm:s3], $0xF7A  }
0x26: {  	[smem:$0x3F9E] =	sst s1;
	(tag) =	ssettag s2;
	_ =	strace s9  }
0x27: {  	s1 =	sld [smem:$0x3FAE]  }
0x28: {  	s2 =	sld [smem:$0x3FAF]  }
0x29: {  	s4 =	sld [smem:$0x3FB1]  }
0x2a: {  	p0 =	seq.s32 s5, $0x0;
	s5 =	sld [smem:$0x3FB2]  }
0x2b: {  	s6 =	sld [smem:$0x3FB3]  }
0x2c: {  	s7 =	sld [smem:$0x3FB4]  }
0x2d: {  	s3 =	simm.s32 $0x108;
	s8 =	sld [smem:$0x3FB5]  }
0x2e: {  	s3 =	simm.s32 @!p0 $0x1082;
	s9 =	sld [smem:$0x3FB6]  }
0x2f: {  	lr =	sadd.s32 s0, s3;
	s0 =	sld [smem:$0x3FAD]  }
0x30: {  	s3 =	sld [smem:$0x3FB0]  }
0x31: {  	[smem:$0x3FB9] =	sst s10  }
0x32: {  	s10 =	sld [smem:$0x3FB7];
	_ =	sdelay $0x3  }
0x33: {  	p0 =	seq.s32 s10, $0x1;
	s10 =	sld [smem:$0x3FB9];
	_ =	sdelay $0x3  }
0x34: {  	[smem:$0x3FB9] =	sst s10  }
0x35: {  	s10 =	sld [smem:$0x3FB8];
	_ =	sdelay $0x3  }
0x36: {  	p1 =	seq.s32 s10, $0x1;
	s10 =	sld [smem:$0x3FB9];
	_ =	sdelay $0x3  }
0x37: {  	[smem:$0x3FB9] =	sst s10  }
0x38: {  	s10 =	sld [smem:$0x3FBA]  }
0x39: {  	_ = 	snop;
	(pc) =	sbr.ind lr, $3  }
0x3a: {  	_ = 	snop  }
0x3b: {  	_ = 	snop  }
0x3c: {  	p2 =	seq.s32 s10, $0x1;
	s10 =	sld [smem:$0x3FB9]  }
0x3d: {  	_ =	shalt  }
0x3e: {  	_ =	shalt  }
0x3f: {  	_ =	shalt  }
0x40: {  	_ =	shalt  }
0x41: {  	_ =	shalt  }
0x42: {  	_ =	shalt  }
0x43: {  	_ =	shalt  }
0x44: {  	_ =	shalt  }
0x45: {  	_ =	shalt  }
0x46: {  	_ =	shalt  }
0x47: {  	_ =	shalt  }
0x48: {  	_ =	shalt  }
0x49: {  	_ =	shalt  }
0x4a: {  	_ =	shalt  }
0x4b: {  	_ =	shalt  }
0x4c: {  	_ =	shalt  }
0x4d: {  	_ =	shalt  }
0x4e: {  	_ =	shalt  }
0x4f: {  	_ =	shalt  }
0x50: {  	_ =	shalt  }
0x51: {  	_ =	shalt  }
0x52: {  	_ =	shalt  }
0x53: {  	_ =	shalt  }
0x54: {  	_ =	shalt  }
0x55: {  	_ =	shalt  }
0x56: {  	_ =	shalt  }
0x57: {  	_ =	shalt  }
0x58: {  	_ =	shalt  }
0x59: {  	_ =	shalt  }
0x5a: {  	_ =	shalt  }
0x5b: {  	_ =	shalt  }
0x5c: {  	_ =	shalt  }
0x5d: {  	_ =	shalt  }
0x5e: {  	_ =	shalt  }
0x5f: {  	_ =	shalt  }
0x60: {  	_ =	shalt  }
0x61: {  	_ =	shalt  }
0x62: {  	_ =	shalt  }
0x63: {  	_ =	shalt  }
0x64: {  	_ =	shalt  }
0x65: {  	_ =	shalt  }
0x66: {  	_ =	shalt  }
0x67: {  	_ =	shalt  }
0x68: {  	_ =	shalt  }
0x69: {  	_ =	shalt  }
0x6a: {  	_ =	shalt  }
0x6b: {  	_ =	shalt  }
0x6c: {  	_ =	shalt  }
0x6d: {  	_ =	shalt  }
0x6e: {  	_ =	shalt  }
0x6f: {  	_ =	shalt  }
0x70: {  	_ =	shalt  }
0x71: {  	_ =	shalt  }
0x72: {  	_ =	shalt  }
0x73: {  	_ =	shalt  }
0x74: {  	_ =	shalt  }
0x75: {  	_ =	shalt  }
0x76: {  	_ =	shalt  }
0x77: {  	_ =	shalt  }
0x78: {  	_ =	shalt  }
0x79: {  	_ =	shalt  }
0x7a: {  	_ =	shalt  }
0x7b: {  	_ =	shalt  }
0x7c: {  	_ =	shalt  }
0x7d: {  	_ =	shalt  }
0x7e: {  	_ =	shalt  }
0x7f: {  	_ =	shalt  }
0x80: {  	_ =	shalt  }
0x81: {  	_ =	shalt  }
0x82: {  	_ =	shalt  }
0x83: {  	_ =	shalt  }
0x84: {  	_ =	shalt  }
0x85: {  	_ =	shalt  }
0x86: {  	_ =	shalt  }
0x87: {  	_ =	shalt  }
.Lfunc_end0:
.L_simem_size_0:
called_computation_lowered:
.L_overlay_start_0:
0x88: {  	s2 =	sld [smem:$0x3FD9]  }
0x89: {  	s3 =	sld [smem:$0x3FFE];
	_ =	sdelay $0x1  }
0x8a: {  	s1 =	srdreg.scid  }
0x8b: {  	s0 =	sand.u32 $0x1, s1  }
0x8c: {  	s14 =	sshll.u32 s0, $0xA;
	s2 =	sadd.s32 s3, s2  }
0x8d: {  	s2 =	sadd.s32 s2, s14  }
0x8e: {  	[smem:$0x3FC5] =	sst s2  }
0x8f: {  	_ = 	snop  }
0x90: {  	s2 =	sld [smem:$0x3FD0];
	_ =	sdelay $0x2  }
0x91: {  	s4 =	simm.s32 $0xA;
	s5 =	simm.s32 $0x10;
	s15 =	sld [smem:$0x3FC9]  }
0x92: {  	[smem:s5], [sflag:s4] =	dma.local [hbm:s2], $0x1  }
0x93: {  	_ =	swait.eq [sflag:s4], $0x1  }
0x94: {  	[sflag:s4] =	ssyncset.done $0x0  }
0x95: {  	s16 =	sld [smem:$0x10];
	[sflag:s4] =	ssyncadd.s32 $0xFFFFFFFF  }
0x96: {  	s17 =	sld [smem:$0x11];
	(tm) =	ssettm $0x1  }
0x97: {  	s18 =	sld [smem:$0x3FFB];
	_ =	sdelay $0x3  }
0x98: {  	_ =	strace s18  }
0x99: {  	s5 =	sld [smem:$0x3FFC];
	_ =	sdelay $0x3  }
0x9a: {  	_ =	strace s5  }
0x9b: {  	s5 =	sld [smem:$0x3FFD];
	_ =	sdelay $0x3  }
0x9c: {  	_ =	strace s5  }
0x9d: {  	_ =	strace $0x8FFFFFFF  }
0x9e: {  	s19 =	sld [smem:$0x3FDB];
	_ =	sdelay $0x1  }
0x9f: {  	s6 =	simm.s32 $_scs_section_size  }
0xa0: {  	s7 =	simm.s32 $_size__tile_overlayer_lowered;
	s8 =	simm.s32 $_tile_overlayer_lowered  }
0xa1: {  	s22 =	simm.s32 $0x1BFF;
	s21 =	sshll.u32 s8, $0x1;
	s5 =	sadd.s32 s6, s19  }
0xa2: {  	s9 =	simm.s32 $0x0;
	s20 =	sshll.u32 s7, $0x1;
	s7 =	sadd.s32 s21, s5  }
0xa3: {  	[timem:s9], [sflag:s22] =	dma.local [hbm:s7], s20  }
0xa4: {  	_ =	swait.ge [sflag:s22], s20  }
0xa5: {  	s6 =	ssub.s32 $0x0, s20;
	[sflag:s22] =	ssyncset.done $0x0  }
0xa6: {  	[sflag:s22] =	ssyncadd.s32 s6;
	_ =	sdelay $0x1  }
0xa7: {  	s23 =	simm.s32 $0x1B8B  }
0xa8: {  	_ =	swait.ge [sflag:s23], $0x1  }
0xa9: {  	[sflag:s23] =	ssyncset.done $0x0  }
0xaa: {  	s25 =	simm.s32 $0x1B8E;
	s24 =	sld [smem:$0x3FFE];
	[sflag:s23] =	ssyncadd.s32 $0xFFFFFFFF  }
0xab: {  	s26 =	simm.s32 $execute0_lowered;
	[smem:$0x3FD2] =	sst s25  }
0xac: {  	s7 =	sshll.u32 s26, $0x1;
	_ =	strace $0x80000046;
	[dreg:$0x1] =	wrdreg $0xFFFFFFFF  }
0xad: {  	s28 =	simm.s32 $_size_execute0_lowered;
	s5 =	sadd.s32 s5, s7;
	[dreg:$0x0] =	wrdreg $0x0  }
0xae: {  	s7 =	sshll.u32 s28, $0x1;
	[dreg:$0x2] =	wrdreg s5  }
0xaf: {  	[dreg:$0x3] =	wrdreg s7  }
0xb0: {  	[dreg:$0x4] =	wrdreg $0xC0  }
0xb1: {  	_ =	task [dreg:s9], $0x5FFFF  }
0xb2: {  	[dreg:$0x1] =	wrdreg $0xFFFFFFFF  }
0xb3: {  	[dreg:$0x0] =	wrdreg $0x60  }
0xb4: {  	[dreg:$0x2] =	wrdreg s15  }
0xb5: {  	[dreg:$0x3] =	wrdreg s16  }
0xb6: {  	[dreg:$0x4] =	wrdreg s24  }
0xb7: {  	[dreg:$0x5] =	wrdreg s17  }
0xb8: {  	[dreg:$0x6] =	wrdreg $0x9  }
0xb9: {  	_ =	task.clear_ibuf [dreg:s9], $0x7FFFF;
	_ =	strace $0x90000046  }
0xba: {  	s29 =	simm.s32 $0x9;
	_ =	strace $0x80000048  }
0xbb: {  	_ =	swait.ge [sflag:s29], $0x1  }
0xbc: {  	[sflag:s29] =	ssyncadd.s32 $0xFFFFFFFF  }
0xbd: {  	_ =	strace $0x90000048  }
0xbe: {  	_ =	sfence  }
0xbf: {  	s30 =	sld [smem:$0x0];
	_ =	sdelay $0x2  }
0xc0: {  	s31 =	sshll.u32 s1, $0xD;
	s1 =	sshrl.u32 s1, $0x2  }
0xc1: {  	s3 =	sand.u32 $0x4000, s31;
	s1 =	sadd.s32 s1, s30  }
0xc2: {  	s0 =	sor.u32 s3, s0;
	s1 =	sshll.u32 s1, $0x11  }
0xc3: {  	s0 =	sor.u32 s1, s0  }
0xc4: {  	s0 =	sadd.s32 $0x8F2B, s0  }
0xc5: {  	[sflag:s0] =	ssyncadd.remote.s32 $0x1  }
0xc6: {  	_ =	sfence.sel $0xFFFF  }
0xc7: {  	[dreg:$0x0] =	wrdreg $0xFFFFFFFF;
	(pc) =	sbr.abs _section_cstart, $3  }
0xc8: {  	[dreg:$0x1] =	wrdreg $0xFFFFFFFF  }
0xc9: {  	_ =	task.clear_ibuf [dreg:s9], $0x2FFFF;
	_ =	strace $0x9FFFFFFF  }
0xca: {  	(tm) =	ssettm $0x7FFFFFFF  }
0xcb: {  	_ =	shalt  }
tec
execute0_lowered:
.L_overlay_start_1:
0x0: {  	(tag) =	ssettag $0x1  }
0x1: {  	s4 =	rddreg [dreg:$0x0]  }
0x2: {  	s5 =	rddreg [dreg:$0x1]  }
0x3: {  	s6 =	rddreg [dreg:$0x2]  }
0x4: {  	s7 =	rddreg [dreg:$0x3];
	s2 =	simm.s32 $0x0  }
0x5: {  	s3 =	srdreg.scid;
	s0 =	stileid.u32;
	s13 =	simm.s32 $0x5980  }
0x6: {  	s14 =	simm.s32 $0x2148;
	s15 =	simm.s32 $0x8B80;
	s16 =	simm.s32 $0x2210  }
0x7: {  	s17 =	simm.s32 $0xBD80;
	s18 =	simm.s32 $0x22D8;
	s19 =	simm.s32 $0xEF80  }
0x8: {  	s20 =	simm.s32 $0x2;
	s21 =	simm.s32 $0x3;
	s22 =	simm.s32 $0x4  }
0x9: {  	s23 =	simm.s32 $0x5;
	s24 =	simm.s32 $0x1;
	s25 =	simm.s32 $0x3980  }
0xa: {  	s26 =	simm.s32 $0x0;
	s8 =	sand.u32 $0x1, s3;
	s9 =	sshll.u32 s0, $0x1  }
0xb: {  	[smem:$0x7FF] =	sst s2;
	s3 =	sadd.s32 $0xF42E00, s6;
	s9 =	sor.u32 s8, s9  }
0xc: {  	_ =	strace $0x80000047;
	s8 =	ssub.s32 $0x2, s8;
	s11 =	smul.u32 $0x320, s9  }
.Ltmp0:
0xd: {  	s10 =	sshll.u32 s9, $0xA;
	s31 =	sshrl.u32 s8, $0x1;
	(pc) =	sbr.rel .LBB2_1-.Ltmp0, $4  }
0xe: {  	s9 =	sshll.u32 s9, $0x4;
	s12 =	sadd.s32 s10, s6;
	s8 =	ssub.s32 s8, s31  }
0xf: {  	s4 =	sadd.s32 s4, s9;
	s6 =	sadd.s32 s7, s10;
	s9 =	simm.s32 $0x6  }
0x10: {  	s10 =	simm.s32 $0x80;
	s5 =	sadd.s32 s5, s11;
	s7 =	sadd.s32 $0xA00, s12  }
0x11: {  	s8 =	smax.u32 s8, $0x1;
	s11 =	simm.s32 $0x2080;
	s12 =	simm.s32 $0xC8  }
.LBB2_36:
0x12: {  	_ =	swait.ge [sflag:s24], $0x2000  }
0x13: {  	[sflag:s24] =	ssyncset.done $0x0  }
0x14: {  	[sflag:s24] =	ssyncadd.s32 $0xFFFFE000  }
0x15: {  	[hbm4b:s6+s2] =	stream.linear.scatter [tilespmem:s10], [sflag:$0x6], $0x2000, $0x38;
	[tilespmem:$0x12180] =	vst v63  }
0x16: {  	s26 =	sadd.s32 $0x1, s26;
	_ =	swait.ge [sflag:s9], $0x2000  }
0x17: {  	p0 =	sne.s32 s26, s8;
	[sflag:s9] =	ssyncset.done $0x0  }
.Ltmp1:
0x18: {  	[sflag:s9] =	ssyncadd.s32 $0xFFFFE000;
	(pc) =	sbr.rel @!p0 .LBB2_37-.Ltmp1, $4  }
0x19: {  	[hbm4b:s7+s2] =	stream.linear.scatter [tilespmem:s25], [sflag:$0x6], $0x2000, $0x38;
	[tilespmem:$0x12180] =	vst v63  }
0x1a: {  	_ =	swait.ge [sflag:s9], $0x2000  }
0x1b: {  	[sflag:s9] =	ssyncset.done $0x0  }
0x1c: {  	[sflag:s9] =	ssyncadd.s32 $0xFFFFE000  }
.LBB2_1:
0x1d: {  	[tilespmem:s2], [sflag:$0x6] =	stream.linear.gather [hbm4b:s4+s2], $0x80, $0x38;
	[tilespmem:$0x12180] =	vst v63  }
0x1e: {  	_ =	swait.ge [sflag:s9], $0x80  }
0x1f: {  	[sflag:s9] =	ssyncset.done $0x0  }
0x20: {  	[sflag:s9] =	ssyncadd.s32 $0xFFFFFF80  }
0x21: {  	[tilespmem:s10], [sflag:$0x1] =	stream.indirect.gather [hbm4b:s3+s10], $0x40, s2, s10, $0xb8;
	[tilespmem:$0x12180] =	vst v63  }
0x22: {  	_ = 	snop  }
0x23: {  	[tilespmem:s11], [sflag:$0x6] =	stream.linear.gather [hbm4b:s5+s2], $0x1900, $0x38;
	[tilespmem:$0x12180] =	vst v63  }
0x24: {  	_ =	swait.ge [sflag:s9], $0x1900  }
0x25: {  	[sflag:s9] =	ssyncset.done $0x0  }
0x26: {  	[sflag:s9] =	ssyncadd.s32 $0xFFFFE700  }
0x27: {  	[tilespmem:s13], [sflag:$0x2] =	stream.indirect.gather [hbm4b:s3+s12], $0x40, s11, s12, $0xb8;
	[tilespmem:$0x12180] =	vst v63  }
0x28: {  	_ = 	snop  }
0x29: {  	[tilespmem:s15], [sflag:$0x3] =	stream.indirect.gather [hbm4b:s3+s12], $0x40, s14, s12, $0xb8;
	[tilespmem:$0x12180] =	vst v63  }
0x2a: {  	_ = 	snop  }
0x2b: {  	[tilespmem:s17], [sflag:$0x4] =	stream.indirect.gather [hbm4b:s3+s12], $0x40, s16, s12, $0xb8;
	[tilespmem:$0x12180] =	vst v63  }
0x2c: {  	s28 =	simm.s32 $0x0  }
0x2d: {  	[tilespmem:s19], [sflag:$0x5] =	stream.indirect.gather [hbm4b:s3+s12], $0x40, s18, s12, $0xb8;
	[tilespmem:$0x12180] =	vst v63  }
.LBB2_2:
0x2e: {  	_ =	swait.ge [sflag:s20], $0x3200  }
0x2f: {  	[sflag:s20] =	ssyncset.done $0x0  }
0x30: {  	s30 =	simm.s32 $0x0;
	[sflag:s20] =	ssyncadd.s32 $0xFFFFCE00  }
0x31: {  	v1 =	vld [tilespmem:s30+$0x59B0]  }
0x32: {  	v2 =	vld [tilespmem:s30+$0x5980]  }
0x33: {  	v0 =	vimm.f32 $0.0e+00;
	v3 =	vld [tilespmem:s30+$0x5990]  }
0x34: {  	s29 =	simm.s32 $0x100;
	v7 =	vimm.f32 $0.0e+00;
	v6 =	vimm.f32 $0.0e+00;
	v5 =	vimm.f32 $0.0e+00;
	v4 =	vld [tilespmem:s30+$0x59A0]  }
.LBB2_3:
0x35: {  	p0 =	sne.s32 s29, $0x3100  }
.Ltmp2:
0x36: {  	s30 =	sshra.s32 s29, $0x2;
	s29 =	sadd.s32 $0x100, s29;
	v0 =	vadd.f32 v1, v0;
	(pc) =	sbr.rel @p0 .LBB2_3-.Ltmp2, $4  }
0x37: {  	v1 =	vld [tilespmem:s30+$0x59B0];
	v7 =	vadd.f32 v2, v7  }
0x38: {  	v2 =	vld [tilespmem:s30+$0x5980];
	v6 =	vadd.f32 v3, v6  }
0x39: {  	v3 =	vld [tilespmem:s30+$0x5990];
	v5 =	vadd.f32 v4, v5  }
0x3a: {  	v4 =	vld [tilespmem:s30+$0x59A0]  }
0x3b: {  	_ = 	snop  }
0x3c: {  	s29 =	sshll.u32 s28, $0xC;
	v0 =	vadd.f32 v1, v0  }
0x3d: {  	s29 =	sshra.s32 s29, $0x2;
	v2 =	vadd.f32 v2, v7  }
0x3e: {  	v3 =	vadd.f32 v3, v6;
	[tilespmem:s29+$0x39B0] =	vst v0  }
0x3f: {  	v4 =	vadd.f32 v4, v5;
	[tilespmem:s29+$0x3980] =	vst v2  }
0x40: {  	[tilespmem:s29+$0x3990] =	vst v3  }
0x41: {  	s31 =	simm.s32 $0x0;
	[tilespmem:s29+$0x39A0] =	vst v4  }
0x42: {  	v1 =	vld [tilespmem:s31+$0x6630]  }
0x43: {  	v2 =	vld [tilespmem:s31+$0x6600]  }
0x44: {  	v7 =	vimm.f32 $0.0e+00;
	v3 =	vld [tilespmem:s31+$0x6610]  }
0x45: {  	s30 =	simm.s32 $0x100;
	v0 =	vimm.f32 $0.0e+00;
	v6 =	vimm.f32 $0.0e+00;
	v5 =	vimm.f32 $0.0e+00;
	v4 =	vld [tilespmem:s31+$0x6620]  }
.LBB2_5:
0x46: {  	p0 =	sne.s32 s30, $0x3100  }
.Ltmp3:
0x47: {  	s31 =	sshra.s32 s30, $0x2;
	s30 =	sadd.s32 $0x100, s30;
	v0 =	vadd.f32 v1, v0;
	(pc) =	sbr.rel @p0 .LBB2_5-.Ltmp3, $4  }
0x48: {  	v1 =	vld [tilespmem:s31+$0x6630];
	v5 =	vadd.f32 v2, v5  }
0x49: {  	v2 =	vld [tilespmem:s31+$0x6600];
	v6 =	vadd.f32 v3, v6  }
0x4a: {  	v3 =	vld [tilespmem:s31+$0x6610];
	v7 =	vadd.f32 v4, v7  }
0x4b: {  	v4 =	vld [tilespmem:s31+$0x6620]  }
0x4c: {  	_ = 	snop  }
0x4d: {  	v0 =	vadd.f32 v1, v0  }
0x4e: {  	v2 =	vadd.f32 v2, v5  }
0x4f: {  	v3 =	vadd.f32 v3, v6;
	[tilespmem:s29+$0x39F0] =	vst v0  }
0x50: {  	v4 =	vadd.f32 v4, v7;
	[tilespmem:s29+$0x39C0] =	vst v2  }
0x51: {  	[tilespmem:s29+$0x39D0] =	vst v3  }
0x52: {  	s31 =	simm.s32 $0x0;
	[tilespmem:s29+$0x39E0] =	vst v4  }
0x53: {  	v1 =	vld [tilespmem:s31+$0x72B0]  }
0x54: {  	v2 =	vld [tilespmem:s31+$0x7280]  }
0x55: {  	v5 =	vimm.f32 $0.0e+00;
	v3 =	vld [tilespmem:s31+$0x7290]  }
0x56: {  	s30 =	simm.s32 $0x100;
	v0 =	vimm.f32 $0.0e+00;
	v6 =	vimm.f32 $0.0e+00;
	v7 =	vimm.f32 $0.0e+00;
	v4 =	vld [tilespmem:s31+$0x72A0]  }
.LBB2_7:
0x57: {  	p0 =	sne.s32 s30, $0x3100  }
.Ltmp4:
0x58: {  	s31 =	sshra.s32 s30, $0x2;
	s30 =	sadd.s32 $0x100, s30;
	v0 =	vadd.f32 v1, v0;
	(pc) =	sbr.rel @p0 .LBB2_7-.Ltmp4, $4  }
0x59: {  	v1 =	vld [tilespmem:s31+$0x72B0];
	v5 =	vadd.f32 v2, v5  }
0x5a: {  	v2 =	vld [tilespmem:s31+$0x7280];
	v6 =	vadd.f32 v3, v6  }
0x5b: {  	v3 =	vld [tilespmem:s31+$0x7290];
	v7 =	vadd.f32 v4, v7  }
0x5c: {  	v4 =	vld [tilespmem:s31+$0x72A0]  }
0x5d: {  	_ = 	snop  }
0x5e: {  	v0 =	vadd.f32 v1, v0  }
0x5f: {  	v2 =	vadd.f32 v2, v5  }
0x60: {  	v3 =	vadd.f32 v3, v6;
	[tilespmem:s29+$0x3A30] =	vst v0  }
0x61: {  	v4 =	vadd.f32 v4, v7;
	[tilespmem:s29+$0x3A00] =	vst v2  }
0x62: {  	[tilespmem:s29+$0x3A10] =	vst v3  }
0x63: {  	s31 =	simm.s32 $0x0;
	[tilespmem:s29+$0x3A20] =	vst v4  }
0x64: {  	v1 =	vld [tilespmem:s31+$0x7F30]  }
0x65: {  	v2 =	vld [tilespmem:s31+$0x7F00]  }
0x66: {  	v5 =	vimm.f32 $0.0e+00;
	v3 =	vld [tilespmem:s31+$0x7F10]  }
0x67: {  	s30 =	simm.s32 $0x100;
	v0 =	vimm.f32 $0.0e+00;
	v6 =	vimm.f32 $0.0e+00;
	v7 =	vimm.f32 $0.0e+00;
	v4 =	vld [tilespmem:s31+$0x7F20]  }
.LBB2_9:
0x68: {  	p0 =	sne.s32 s30, $0x3100  }
.Ltmp5:
0x69: {  	s31 =	sshra.s32 s30, $0x2;
	s30 =	sadd.s32 $0x100, s30;
	v0 =	vadd.f32 v1, v0;
	(pc) =	sbr.rel @p0 .LBB2_9-.Ltmp5, $4  }
0x6a: {  	v1 =	vld [tilespmem:s31+$0x7F30];
	v6 =	vadd.f32 v2, v6  }
0x6b: {  	v2 =	vld [tilespmem:s31+$0x7F00];
	v7 =	vadd.f32 v3, v7  }
0x6c: {  	v3 =	vld [tilespmem:s31+$0x7F10];
	v5 =	vadd.f32 v4, v5  }
0x6d: {  	v4 =	vld [tilespmem:s31+$0x7F20]  }
0x6e: {  	_ = 	snop  }
0x6f: {  	v0 =	vadd.f32 v1, v0  }
0x70: {  	p0 =	seq.s32 s28, $0x7;
	v2 =	vadd.f32 v2, v6  }
0x71: {  	s30 =	smul.u32 @!p0 $0xC80, s28;
	v3 =	vadd.f32 v3, v7;
	[tilespmem:s29+$0x3A70] =	vst v0  }
0x72: {  	v4 =	vadd.f32 v4, v5;
	[tilespmem:s29+$0x3A40] =	vst v2  }
0x73: {  	s30 =	sshra.s32 @!p0 s30, $0x2;
	[tilespmem:s29+$0x3A50] =	vst v3  }
0x74: {  	s0 =	simm.s32 @!p0 $0xC8;
	s1 =	simm.s32 @!p0 $0x5980;
	s31 =	sadd.s32 @!p0 $0x23A0, s30;
	[tilespmem:s29+$0x3A60] =	vst v4  }
0x75: {  	[tilespmem:s1], [sflag:$0x2] =	stream.indirect.gather @!p0 [hbm4b:s3+s0], $0x40, s31, s0, $0xb8;
	[tilespmem:$0x12180] =	vst v63  }
0x76: {  	_ =	swait.ge [sflag:s21], $0x3200  }
0x77: {  	[sflag:s21] =	ssyncset.done $0x0  }
0x78: {  	s1 =	simm.s32 $0x0;
	[sflag:s21] =	ssyncadd.s32 $0xFFFFCE00  }
0x79: {  	v1 =	vld [tilespmem:s1+$0x8BB0]  }
0x7a: {  	v2 =	vld [tilespmem:s1+$0x8B80]  }
0x7b: {  	v6 =	vimm.f32 $0.0e+00;
	v3 =	vld [tilespmem:s1+$0x8B90]  }
0x7c: {  	v0 =	vimm.f32 $0.0e+00;
	v7 =	vimm.f32 $0.0e+00;
	v5 =	vimm.f32 $0.0e+00;
	s31 =	simm.s32 $0x100;
	v4 =	vld [tilespmem:s1+$0x8BA0]  }
.LBB2_11:
0x7d: {  	p1 =	sne.s32 s31, $0x3100  }
.Ltmp6:
0x7e: {  	s0 =	sshra.s32 s31, $0x2;
	s31 =	sadd.s32 $0x100, s31;
	v0 =	vadd.f32 v1, v0;
	(pc) =	sbr.rel @p1 .LBB2_11-.Ltmp6, $4  }
0x7f: {  	v1 =	vld [tilespmem:s0+$0x8BB0];
	v5 =	vadd.f32 v2, v5  }
0x80: {  	v2 =	vld [tilespmem:s0+$0x8B80];
	v6 =	vadd.f32 v3, v6  }
0x81: {  	v3 =	vld [tilespmem:s0+$0x8B90];
	v7 =	vadd.f32 v4, v7  }
0x82: {  	v4 =	vld [tilespmem:s0+$0x8BA0]  }
0x83: {  	_ = 	snop  }
0x84: {  	v0 =	vadd.f32 v1, v0  }
0x85: {  	v2 =	vadd.f32 v2, v5  }
0x86: {  	v3 =	vadd.f32 v3, v6;
	[tilespmem:s29+$0x3AB0] =	vst v0  }
0x87: {  	v4 =	vadd.f32 v4, v7;
	[tilespmem:s29+$0x3A80] =	vst v2  }
0x88: {  	[tilespmem:s29+$0x3A90] =	vst v3  }
0x89: {  	s0 =	simm.s32 $0x0;
	[tilespmem:s29+$0x3AA0] =	vst v4  }
0x8a: {  	v1 =	vld [tilespmem:s0+$0x9830]  }
0x8b: {  	v2 =	vld [tilespmem:s0+$0x9800]  }
0x8c: {  	v5 =	vimm.f32 $0.0e+00;
	v3 =	vld [tilespmem:s0+$0x9810]  }
0x8d: {  	s31 =	simm.s32 $0x100;
	v0 =	vimm.f32 $0.0e+00;
	v6 =	vimm.f32 $0.0e+00;
	v7 =	vimm.f32 $0.0e+00;
	v4 =	vld [tilespmem:s0+$0x9820]  }
.LBB2_13:
0x8e: {  	p1 =	sne.s32 s31, $0x3100  }
.Ltmp7:
0x8f: {  	s0 =	sshra.s32 s31, $0x2;
	s31 =	sadd.s32 $0x100, s31;
	v0 =	vadd.f32 v1, v0;
	(pc) =	sbr.rel @p1 .LBB2_13-.Ltmp7, $4  }
0x90: {  	v1 =	vld [tilespmem:s0+$0x9830];
	v5 =	vadd.f32 v2, v5  }
0x91: {  	v2 =	vld [tilespmem:s0+$0x9800];
	v6 =	vadd.f32 v3, v6  }
0x92: {  	v3 =	vld [tilespmem:s0+$0x9810];
	v7 =	vadd.f32 v4, v7  }
0x93: {  	v4 =	vld [tilespmem:s0+$0x9820]  }
0x94: {  	_ = 	snop  }
0x95: {  	v0 =	vadd.f32 v1, v0  }
0x96: {  	v2 =	vadd.f32 v2, v5  }
0x97: {  	v3 =	vadd.f32 v3, v6;
	[tilespmem:s29+$0x3AF0] =	vst v0  }
0x98: {  	v4 =	vadd.f32 v4, v7;
	[tilespmem:s29+$0x3AC0] =	vst v2  }
0x99: {  	[tilespmem:s29+$0x3AD0] =	vst v3  }
0x9a: {  	s0 =	simm.s32 $0x0;
	[tilespmem:s29+$0x3AE0] =	vst v4  }
0x9b: {  	v1 =	vld [tilespmem:s0+$0xA4B0]  }
0x9c: {  	v2 =	vld [tilespmem:s0+$0xA480]  }
0x9d: {  	v5 =	vimm.f32 $0.0e+00;
	v3 =	vld [tilespmem:s0+$0xA490]  }
0x9e: {  	s31 =	simm.s32 $0x100;
	v0 =	vimm.f32 $0.0e+00;
	v6 =	vimm.f32 $0.0e+00;
	v7 =	vimm.f32 $0.0e+00;
	v4 =	vld [tilespmem:s0+$0xA4A0]  }
.LBB2_15:
0x9f: {  	p1 =	sne.s32 s31, $0x3100  }
.Ltmp8:
0xa0: {  	s0 =	sshra.s32 s31, $0x2;
	s31 =	sadd.s32 $0x100, s31;
	v0 =	vadd.f32 v1, v0;
	(pc) =	sbr.rel @p1 .LBB2_15-.Ltmp8, $4  }
0xa1: {  	v1 =	vld [tilespmem:s0+$0xA4B0];
	v5 =	vadd.f32 v2, v5  }
0xa2: {  	v2 =	vld [tilespmem:s0+$0xA480];
	v6 =	vadd.f32 v3, v6  }
0xa3: {  	v3 =	vld [tilespmem:s0+$0xA490];
	v7 =	vadd.f32 v4, v7  }
0xa4: {  	v4 =	vld [tilespmem:s0+$0xA4A0]  }
0xa5: {  	_ = 	snop  }
0xa6: {  	v0 =	vadd.f32 v1, v0  }
0xa7: {  	v2 =	vadd.f32 v2, v5  }
0xa8: {  	v3 =	vadd.f32 v3, v6;
	[tilespmem:s29+$0x3B30] =	vst v0  }
0xa9: {  	v4 =	vadd.f32 v4, v7;
	[tilespmem:s29+$0x3B00] =	vst v2  }
0xaa: {  	[tilespmem:s29+$0x3B10] =	vst v3  }
0xab: {  	s0 =	simm.s32 $0x0;
	[tilespmem:s29+$0x3B20] =	vst v4  }
0xac: {  	v1 =	vld [tilespmem:s0+$0xB130]  }
0xad: {  	v2 =	vld [tilespmem:s0+$0xB100]  }
0xae: {  	v5 =	vimm.f32 $0.0e+00;
	v3 =	vld [tilespmem:s0+$0xB110]  }
0xaf: {  	s31 =	simm.s32 $0x100;
	v0 =	vimm.f32 $0.0e+00;
	v6 =	vimm.f32 $0.0e+00;
	v7 =	vimm.f32 $0.0e+00;
	v4 =	vld [tilespmem:s0+$0xB120]  }
.LBB2_17:
0xb0: {  	p1 =	sne.s32 s31, $0x3100  }
.Ltmp9:
0xb1: {  	s0 =	sshra.s32 s31, $0x2;
	s31 =	sadd.s32 $0x100, s31;
	v0 =	vadd.f32 v1, v0;
	(pc) =	sbr.rel @p1 .LBB2_17-.Ltmp9, $4  }
0xb2: {  	v1 =	vld [tilespmem:s0+$0xB130];
	v5 =	vadd.f32 v2, v5  }
0xb3: {  	v2 =	vld [tilespmem:s0+$0xB100];
	v6 =	vadd.f32 v3, v6  }
0xb4: {  	v3 =	vld [tilespmem:s0+$0xB110];
	v7 =	vadd.f32 v4, v7  }
0xb5: {  	v4 =	vld [tilespmem:s0+$0xB120]  }
0xb6: {  	_ = 	snop  }
0xb7: {  	v0 =	vadd.f32 v1, v0  }
0xb8: {  	v2 =	vadd.f32 v2, v5  }
0xb9: {  	v3 =	vadd.f32 v3, v6;
	[tilespmem:s29+$0x3B70] =	vst v0  }
0xba: {  	v4 =	vadd.f32 v4, v7;
	[tilespmem:s29+$0x3B40] =	vst v2  }
0xbb: {  	[tilespmem:s29+$0x3B50] =	vst v3  }
0xbc: {  	s0 =	sadd.s32 @!p0 $0x2468, s30;
	s1 =	simm.s32 @!p0 $0xC8;
	s31 =	simm.s32 @!p0 $0x8B80;
	[tilespmem:s29+$0x3B60] =	vst v4  }
0xbd: {  	[tilespmem:s31], [sflag:$0x3] =	stream.indirect.gather @!p0 [hbm4b:s3+s1], $0x40, s0, s1, $0xb8;
	[tilespmem:$0x12180] =	vst v63  }
0xbe: {  	_ =	swait.ge [sflag:s22], $0x3200  }
0xbf: {  	[sflag:s22] =	ssyncset.done $0x0  }
0xc0: {  	s1 =	simm.s32 $0x0;
	[sflag:s22] =	ssyncadd.s32 $0xFFFFCE00  }
0xc1: {  	v1 =	vld [tilespmem:s1+$0xBDB0]  }
0xc2: {  	v2 =	vld [tilespmem:s1+$0xBD80]  }
0xc3: {  	v5 =	vimm.f32 $0.0e+00;
	v3 =	vld [tilespmem:s1+$0xBD90]  }
0xc4: {  	v0 =	vimm.f32 $0.0e+00;
	v6 =	vimm.f32 $0.0e+00;
	v7 =	vimm.f32 $0.0e+00;
	s31 =	simm.s32 $0x100;
	v4 =	vld [tilespmem:s1+$0xBDA0]  }
.LBB2_19:
0xc5: {  	p1 =	sne.s32 s31, $0x3100  }
.Ltmp10:
0xc6: {  	s0 =	sshra.s32 s31, $0x2;
	s31 =	sadd.s32 $0x100, s31;
	v0 =	vadd.f32 v1, v0;
	(pc) =	sbr.rel @p1 .LBB2_19-.Ltmp10, $4  }
0xc7: {  	v1 =	vld [tilespmem:s0+$0xBDB0];
	v5 =	vadd.f32 v2, v5  }
0xc8: {  	v2 =	vld [tilespmem:s0+$0xBD80];
	v6 =	vadd.f32 v3, v6  }
0xc9: {  	v3 =	vld [tilespmem:s0+$0xBD90];
	v7 =	vadd.f32 v4, v7  }
0xca: {  	v4 =	vld [tilespmem:s0+$0xBDA0]  }
0xcb: {  	_ = 	snop  }
0xcc: {  	v0 =	vadd.f32 v1, v0  }
0xcd: {  	v2 =	vadd.f32 v2, v5  }
0xce: {  	v3 =	vadd.f32 v3, v6;
	[tilespmem:s29+$0x3BB0] =	vst v0  }
0xcf: {  	v4 =	vadd.f32 v4, v7;
	[tilespmem:s29+$0x3B80] =	vst v2  }
0xd0: {  	[tilespmem:s29+$0x3B90] =	vst v3  }
0xd1: {  	s0 =	simm.s32 $0x0;
	[tilespmem:s29+$0x3BA0] =	vst v4  }
0xd2: {  	v1 =	vld [tilespmem:s0+$0xCA30]  }
0xd3: {  	v2 =	vld [tilespmem:s0+$0xCA00]  }
0xd4: {  	v5 =	vimm.f32 $0.0e+00;
	v3 =	vld [tilespmem:s0+$0xCA10]  }
0xd5: {  	s31 =	simm.s32 $0x100;
	v0 =	vimm.f32 $0.0e+00;
	v6 =	vimm.f32 $0.0e+00;
	v7 =	vimm.f32 $0.0e+00;
	v4 =	vld [tilespmem:s0+$0xCA20]  }
.LBB2_21:
0xd6: {  	p1 =	sne.s32 s31, $0x3100  }
.Ltmp11:
0xd7: {  	s0 =	sshra.s32 s31, $0x2;
	s31 =	sadd.s32 $0x100, s31;
	v0 =	vadd.f32 v1, v0;
	(pc) =	sbr.rel @p1 .LBB2_21-.Ltmp11, $4  }
0xd8: {  	v1 =	vld [tilespmem:s0+$0xCA30];
	v5 =	vadd.f32 v2, v5  }
0xd9: {  	v2 =	vld [tilespmem:s0+$0xCA00];
	v6 =	vadd.f32 v3, v6  }
0xda: {  	v3 =	vld [tilespmem:s0+$0xCA10];
	v7 =	vadd.f32 v4, v7  }
0xdb: {  	v4 =	vld [tilespmem:s0+$0xCA20]  }
0xdc: {  	_ = 	snop  }
0xdd: {  	v0 =	vadd.f32 v1, v0  }
0xde: {  	v2 =	vadd.f32 v2, v5  }
0xdf: {  	v3 =	vadd.f32 v3, v6;
	[tilespmem:s29+$0x3BF0] =	vst v0  }
0xe0: {  	v4 =	vadd.f32 v4, v7;
	[tilespmem:s29+$0x3BC0] =	vst v2  }
0xe1: {  	[tilespmem:s29+$0x3BD0] =	vst v3  }
0xe2: {  	s0 =	simm.s32 $0x0;
	[tilespmem:s29+$0x3BE0] =	vst v4  }
0xe3: {  	v1 =	vld [tilespmem:s0+$0xD6B0]  }
0xe4: {  	v2 =	vld [tilespmem:s0+$0xD680]  }
0xe5: {  	v5 =	vimm.f32 $0.0e+00;
	v3 =	vld [tilespmem:s0+$0xD690]  }
0xe6: {  	s31 =	simm.s32 $0x100;
	v0 =	vimm.f32 $0.0e+00;
	v6 =	vimm.f32 $0.0e+00;
	v7 =	vimm.f32 $0.0e+00;
	v4 =	vld [tilespmem:s0+$0xD6A0]  }
.LBB2_23:
0xe7: {  	p1 =	sne.s32 s31, $0x3100  }
.Ltmp12:
0xe8: {  	s0 =	sshra.s32 s31, $0x2;
	s31 =	sadd.s32 $0x100, s31;
	v0 =	vadd.f32 v1, v0;
	(pc) =	sbr.rel @p1 .LBB2_23-.Ltmp12, $4  }
0xe9: {  	v1 =	vld [tilespmem:s0+$0xD6B0];
	v5 =	vadd.f32 v2, v5  }
0xea: {  	v2 =	vld [tilespmem:s0+$0xD680];
	v6 =	vadd.f32 v3, v6  }
0xeb: {  	v3 =	vld [tilespmem:s0+$0xD690];
	v7 =	vadd.f32 v4, v7  }
0xec: {  	v4 =	vld [tilespmem:s0+$0xD6A0]  }
0xed: {  	_ = 	snop  }
0xee: {  	v0 =	vadd.f32 v1, v0  }
0xef: {  	v2 =	vadd.f32 v2, v5  }
0xf0: {  	v3 =	vadd.f32 v3, v6;
	[tilespmem:s29+$0x3C30] =	vst v0  }
0xf1: {  	v4 =	vadd.f32 v4, v7;
	[tilespmem:s29+$0x3C00] =	vst v2  }
0xf2: {  	[tilespmem:s29+$0x3C10] =	vst v3  }
0xf3: {  	s0 =	simm.s32 $0x0;
	[tilespmem:s29+$0x3C20] =	vst v4  }
0xf4: {  	v1 =	vld [tilespmem:s0+$0xE330]  }
0xf5: {  	v2 =	vld [tilespmem:s0+$0xE300]  }
0xf6: {  	v5 =	vimm.f32 $0.0e+00;
	v3 =	vld [tilespmem:s0+$0xE310]  }
0xf7: {  	s31 =	simm.s32 $0x100;
	v0 =	vimm.f32 $0.0e+00;
	v6 =	vimm.f32 $0.0e+00;
	v7 =	vimm.f32 $0.0e+00;
	v4 =	vld [tilespmem:s0+$0xE320]  }
.LBB2_25:
0xf8: {  	p1 =	sne.s32 s31, $0x3100  }
.Ltmp13:
0xf9: {  	s0 =	sshra.s32 s31, $0x2;
	s31 =	sadd.s32 $0x100, s31;
	v0 =	vadd.f32 v1, v0;
	(pc) =	sbr.rel @p1 .LBB2_25-.Ltmp13, $4  }
0xfa: {  	v1 =	vld [tilespmem:s0+$0xE330];
	v5 =	vadd.f32 v2, v5  }
0xfb: {  	v2 =	vld [tilespmem:s0+$0xE300];
	v6 =	vadd.f32 v3, v6  }
0xfc: {  	v3 =	vld [tilespmem:s0+$0xE310];
	v7 =	vadd.f32 v4, v7  }
0xfd: {  	v4 =	vld [tilespmem:s0+$0xE320]  }
0xfe: {  	_ = 	snop  }
0xff: {  	v0 =	vadd.f32 v1, v0  }
0x100: {  	v2 =	vadd.f32 v2, v5  }
0x101: {  	v3 =	vadd.f32 v3, v6;
	[tilespmem:s29+$0x3C70] =	vst v0  }
0x102: {  	v4 =	vadd.f32 v4, v7;
	[tilespmem:s29+$0x3C40] =	vst v2  }
0x103: {  	[tilespmem:s29+$0x3C50] =	vst v3  }
0x104: {  	s0 =	sadd.s32 @!p0 $0x2530, s30;
	s1 =	simm.s32 @!p0 $0xC8;
	s30 =	simm.s32 @!p0 $0xBD80;
	[tilespmem:s29+$0x3C60] =	vst v4  }
0x105: {  	[tilespmem:s30], [sflag:$0x4] =	stream.indirect.gather @!p0 [hbm4b:s3+s1], $0x40, s0, s1, $0xb8;
	[tilespmem:$0x12180] =	vst v63  }
0x106: {  	_ =	swait.ge [sflag:s23], $0x3200  }
0x107: {  	[sflag:s23] =	ssyncset.done $0x0  }
0x108: {  	s31 =	simm.s32 $0x0;
	[sflag:s23] =	ssyncadd.s32 $0xFFFFCE00  }
0x109: {  	v1 =	vld [tilespmem:s31+$0xEFB0]  }
0x10a: {  	v2 =	vld [tilespmem:s31+$0xEF80]  }
0x10b: {  	v5 =	vimm.f32 $0.0e+00;
	v3 =	vld [tilespmem:s31+$0xEF90]  }
0x10c: {  	v0 =	vimm.f32 $0.0e+00;
	v6 =	vimm.f32 $0.0e+00;
	v7 =	vimm.f32 $0.0e+00;
	s30 =	simm.s32 $0x100;
	v4 =	vld [tilespmem:s31+$0xEFA0]  }
.LBB2_27:
0x10d: {  	p1 =	sne.s32 s30, $0x3100  }
.Ltmp14:
0x10e: {  	s0 =	sshra.s32 s30, $0x2;
	s30 =	sadd.s32 $0x100, s30;
	v0 =	vadd.f32 v1, v0;
	(pc) =	sbr.rel @p1 .LBB2_27-.Ltmp14, $4  }
0x10f: {  	v1 =	vld [tilespmem:s0+$0xEFB0];
	v5 =	vadd.f32 v2, v5  }
0x110: {  	v2 =	vld [tilespmem:s0+$0xEF80];
	v6 =	vadd.f32 v3, v6  }
0x111: {  	v3 =	vld [tilespmem:s0+$0xEF90];
	v7 =	vadd.f32 v4, v7  }
0x112: {  	v4 =	vld [tilespmem:s0+$0xEFA0]  }
0x113: {  	_ = 	snop  }
0x114: {  	v0 =	vadd.f32 v1, v0  }
0x115: {  	v2 =	vadd.f32 v2, v5  }
0x116: {  	v3 =	vadd.f32 v3, v6;
	[tilespmem:s29+$0x3CB0] =	vst v0  }
0x117: {  	v4 =	vadd.f32 v4, v7;
	[tilespmem:s29+$0x3C80] =	vst v2  }
0x118: {  	[tilespmem:s29+$0x3C90] =	vst v3  }
0x119: {  	s0 =	simm.s32 $0x0;
	[tilespmem:s29+$0x3CA0] =	vst v4  }
0x11a: {  	v1 =	vld [tilespmem:s0+$0xFC30]  }
0x11b: {  	v2 =	vld [tilespmem:s0+$0xFC00]  }
0x11c: {  	v5 =	vimm.f32 $0.0e+00;
	v3 =	vld [tilespmem:s0+$0xFC10]  }
0x11d: {  	s30 =	simm.s32 $0x100;
	v0 =	vimm.f32 $0.0e+00;
	v6 =	vimm.f32 $0.0e+00;
	v7 =	vimm.f32 $0.0e+00;
	v4 =	vld [tilespmem:s0+$0xFC20]  }
.LBB2_29:
0x11e: {  	p1 =	sne.s32 s30, $0x3100  }
.Ltmp15:
0x11f: {  	s0 =	sshra.s32 s30, $0x2;
	s30 =	sadd.s32 $0x100, s30;
	v0 =	vadd.f32 v1, v0;
	(pc) =	sbr.rel @p1 .LBB2_29-.Ltmp15, $4  }
0x120: {  	v1 =	vld [tilespmem:s0+$0xFC30];
	v5 =	vadd.f32 v2, v5  }
0x121: {  	v2 =	vld [tilespmem:s0+$0xFC00];
	v6 =	vadd.f32 v3, v6  }
0x122: {  	v3 =	vld [tilespmem:s0+$0xFC10];
	v7 =	vadd.f32 v4, v7  }
0x123: {  	v4 =	vld [tilespmem:s0+$0xFC20]  }
0x124: {  	_ = 	snop  }
0x125: {  	v0 =	vadd.f32 v1, v0  }
0x126: {  	v2 =	vadd.f32 v2, v5  }
0x127: {  	v3 =	vadd.f32 v3, v6;
	[tilespmem:s29+$0x3CF0] =	vst v0  }
0x128: {  	v4 =	vadd.f32 v4, v7;
	[tilespmem:s29+$0x3CC0] =	vst v2  }
0x129: {  	[tilespmem:s29+$0x3CD0] =	vst v3  }
0x12a: {  	s0 =	simm.s32 $0x0;
	[tilespmem:s29+$0x3CE0] =	vst v4  }
0x12b: {  	v1 =	vld [tilespmem:s0+$0x108B0]  }
0x12c: {  	v2 =	vld [tilespmem:s0+$0x10880]  }
0x12d: {  	v5 =	vimm.f32 $0.0e+00;
	v3 =	vld [tilespmem:s0+$0x10890]  }
0x12e: {  	s30 =	simm.s32 $0x100;
	v0 =	vimm.f32 $0.0e+00;
	v6 =	vimm.f32 $0.0e+00;
	v7 =	vimm.f32 $0.0e+00;
	v4 =	vld [tilespmem:s0+$0x108A0]  }
.LBB2_31:
0x12f: {  	p1 =	sne.s32 s30, $0x3100  }
.Ltmp16:
0x130: {  	s0 =	sshra.s32 s30, $0x2;
	s30 =	sadd.s32 $0x100, s30;
	v0 =	vadd.f32 v1, v0;
	(pc) =	sbr.rel @p1 .LBB2_31-.Ltmp16, $4  }
0x131: {  	v1 =	vld [tilespmem:s0+$0x108B0];
	v5 =	vadd.f32 v2, v5  }
0x132: {  	v2 =	vld [tilespmem:s0+$0x10880];
	v6 =	vadd.f32 v3, v6  }
0x133: {  	v3 =	vld [tilespmem:s0+$0x10890];
	v7 =	vadd.f32 v4, v7  }
0x134: {  	v4 =	vld [tilespmem:s0+$0x108A0]  }
0x135: {  	_ = 	snop  }
0x136: {  	v0 =	vadd.f32 v1, v0  }
0x137: {  	v2 =	vadd.f32 v2, v5  }
0x138: {  	v3 =	vadd.f32 v3, v6;
	[tilespmem:s29+$0x3D30] =	vst v0  }
0x139: {  	v4 =	vadd.f32 v4, v7;
	[tilespmem:s29+$0x3D00] =	vst v2  }
0x13a: {  	[tilespmem:s29+$0x3D10] =	vst v3  }
0x13b: {  	s0 =	simm.s32 $0x0;
	[tilespmem:s29+$0x3D20] =	vst v4  }
0x13c: {  	v1 =	vld [tilespmem:s0+$0x11530]  }
0x13d: {  	v2 =	vld [tilespmem:s0+$0x11500]  }
0x13e: {  	v5 =	vimm.f32 $0.0e+00;
	v3 =	vld [tilespmem:s0+$0x11510]  }
0x13f: {  	s30 =	simm.s32 $0x100;
	v0 =	vimm.f32 $0.0e+00;
	v6 =	vimm.f32 $0.0e+00;
	v7 =	vimm.f32 $0.0e+00;
	v4 =	vld [tilespmem:s0+$0x11520]  }
.LBB2_33:
0x140: {  	p1 =	sne.s32 s30, $0x3100  }
.Ltmp17:
0x141: {  	s0 =	sshra.s32 s30, $0x2;
	s30 =	sadd.s32 $0x100, s30;
	v0 =	vadd.f32 v1, v0;
	(pc) =	sbr.rel @p1 .LBB2_33-.Ltmp17, $4  }
0x142: {  	v1 =	vld [tilespmem:s0+$0x11530];
	v5 =	vadd.f32 v2, v5  }
0x143: {  	v2 =	vld [tilespmem:s0+$0x11500];
	v6 =	vadd.f32 v3, v6  }
0x144: {  	v3 =	vld [tilespmem:s0+$0x11510];
	v7 =	vadd.f32 v4, v7  }
0x145: {  	v4 =	vld [tilespmem:s0+$0x11520]  }
0x146: {  	_ = 	snop  }
0x147: {  	v0 =	vadd.f32 v1, v0  }
.Ltmp18:
0x148: {  	v2 =	vadd.f32 v2, v5;
	(pc) =	sbr.rel @p0 .LBB2_36-.Ltmp18, $4  }
0x149: {  	v3 =	vadd.f32 v3, v6;
	[tilespmem:s29+$0x3D70] =	vst v0  }
0x14a: {  	v4 =	vadd.f32 v4, v7;
	[tilespmem:s29+$0x3D40] =	vst v2  }
0x14b: {  	[tilespmem:s29+$0x3D50] =	vst v3  }
0x14c: {  	[tilespmem:s29+$0x3D60] =	vst v4  }
0x14d: {  	s0 =	smul.u32 $0xC80, s28  }
.Ltmp19:
0x14e: {  	_ = 	snop;
	(pc) =	sbr.rel .LBB2_2-.Ltmp19, $4  }
0x14f: {  	_ = 	snop  }
0x150: {  	s0 =	sshra.s32 s0, $0x2  }
0x151: {  	s28 =	sadd.s32 $0x1, s28;
	s0 =	sadd.s32 $0x25F8, s0  }
0x152: {  	[tilespmem:s19], [sflag:$0x5] =	stream.indirect.gather [hbm4b:s3+s12], $0x40, s0, s12, $0xb8;
	[tilespmem:$0x12180] =	vst v63  }
.LBB2_37:
0x153: {  	_ =	sfence.sel $0x180000  }
0x154: {  	[bflag:$0x0] =	sbarrier.arrive $0xFFFF  }
0x155: {  	_ =	strace $0x90000047  }
0x156: {  	s0 =	stileid.u32;
	[bflag:$0x2] =	sbarrier.arrive $0xFFFF  }
0x157: {  	p0 =	sne.s32 s0, $0x0;
	s0 =	rddreg [dreg:$0x4]  }
0x158: {  	s0 =	sadd.s32 @!p0 $0x100000, s0  }
0x159: {  	[sflag:s0] =	ssyncadd.tile.s32 @!p0 $0x1;
	_ =	shalt  }
.Lfunc_end2:
_tile_overlayer_lowered:
.L_overlay_start_2:
0x15a: {  	(tag) =	ssettag $0x2  }
0x15b: {  	s0 =	rddreg [dreg:$0x0];
	s2 =	stileid.u32  }
0x15c: {  	s1 =	rddreg [dreg:$0x1];
	p0 =	sne.s32 s2, $0x0  }
0x15d: {  	s3 =	rddreg [dreg:$0x2];
	[bflag:$0x3] =	sbarrier.arrive $0xFFFF;
	s2 =	simm.s32 @!p0 $0x1C06  }
0x15e: {  	[timem:s3], [sflag:s2] =	dma.local @!p0 [hbm:s0], s1  }
0x15f: {  	s0 =	simm.s32 @!p0 $0x6  }
0x160: {  	_ =	swait.ge @!p0 [sflag:s0], s1  }
0x161: {  	s1 =	ssub.s32 @!p0 $0x0, s1;
	[sflag:s0] =	ssyncset.done @!p0 $0x0  }
0x162: {  	[sflag:s0] =	ssyncadd.s32 @!p0 s1  }
0x163: {  	[bflag:$0x3] =	sbarrier.arrive $0xFFFF  }
0x164: {  	_ =	shalt  }

</sc_bundles>
